<compile_context>
chip_gen: v7x
topology: tpu7x:2x2x1
jax: 0.10.2.dev20260603
libtpu: 0.0.44.dev20260713+nightly
codegen_flags: <defaults>
</compile_context>

<pallas_src>
import functools

import jax
import jax.numpy as jnp
from jax import lax
from jax.experimental import pallas as pl
from jax.experimental.pallas import tpu as pltpu
from jax.experimental.pallas import tpu_sc as plsc

POS_IOU_THR = 0.5
NEG_IOU_THR = 0.4

N = 20000
M = 128
LANES = 16
NWORKERS = 32
APW = 640
APW_LAST = N - 31 * APW
CPW = APW // LANES
GROUP = 5

_mesh = plsc.VectorSubcoreMesh(core_axis_name="c", subcore_axis_name="s")


@functools.partial(
    pl.kernel,
    mesh=_mesh,
    compiler_params=pltpu.CompilerParams(needs_layout_passes=False),
    out_type=[
        jax.ShapeDtypeStruct((N,), jnp.int32),
        jax.ShapeDtypeStruct((N, 4), jnp.float32),
    ],
    scratch_types=[
        pltpu.VMEM((APW,), jnp.float32),
        pltpu.VMEM((APW,), jnp.float32),
        pltpu.VMEM((APW,), jnp.float32),
        pltpu.VMEM((APW,), jnp.float32),
        pltpu.VMEM((M,), jnp.float32),
        pltpu.VMEM((M,), jnp.float32),
        pltpu.VMEM((M,), jnp.float32),
        pltpu.VMEM((M,), jnp.float32),
        pltpu.VMEM((M,), jnp.float32),
        pltpu.VMEM((M,), jnp.int32),
        pltpu.VMEM((APW,), jnp.int32),
        pltpu.VMEM((APW, 4), jnp.float32),
        pltpu.SemaphoreType.DMA,
    ],
)
def _assign(bx1_h, by1_h, bx2_h, by2_h, gx1_h, gy1_h, gx2_h, gy2_h, glab_h,
            olab_h, obox_h,
            vx1, vy1, vx2, vy2, vgx1, vgy1, vgx2, vgy2, vgarea, vglab,
            vlab, vbox, sem):
    wid = lax.axis_index("s") * 2 + lax.axis_index("c")
    base = wid * APW
    not_last = wid < NWORKERS - 1

    copies = [
        pltpu.make_async_copy(src.at[pl.ds(base, APW_LAST)],
                              dst.at[pl.ds(0, APW_LAST)], sem)
        for src, dst in ((bx1_h, vx1), (by1_h, vy1), (bx2_h, vx2), (by2_h, vy2))
    ] + [
        pltpu.make_async_copy(src, dst, sem)
        for src, dst in ((gx1_h, vgx1), (gy1_h, vgy1), (gx2_h, vgx2),
                         (gy2_h, vgy2), (glab_h, vglab))
    ]
    for cp in copies:
        cp.start()

    rest = [
        pltpu.make_async_copy(src.at[pl.ds(base + APW_LAST, APW - APW_LAST)],
                              dst.at[pl.ds(APW_LAST, APW - APW_LAST)], sem)
        for src, dst in ((bx1_h, vx1), (by1_h, vy1), (bx2_h, vx2), (by2_h, vy2))
    ]

    @pl.when(not_last)
    def _copy_rest():
        for cp in rest:
            cp.start()

    for cp in copies:
        cp.wait()

    @pl.when(not_last)
    def _wait_rest():
        for cp in rest:
            cp.wait()

    zero = jnp.float32(0.0)
    for s in range(M // LANES):
        g1 = vgx1[pl.ds(s * LANES, LANES)]
        g2 = vgy1[pl.ds(s * LANES, LANES)]
        g3 = vgx2[pl.ds(s * LANES, LANES)]
        g4 = vgy2[pl.ds(s * LANES, LANES)]
        vgarea[pl.ds(s * LANES, LANES)] = (
            jnp.maximum(g3 - g1, zero) * jnp.maximum(g4 - g2, zero))

    iota = lax.iota(jnp.int32, LANES)

    def do_group(g, _):
        gbase = g * (GROUP * LANES)
        offs = [gbase + k * LANES for k in range(GROUP)]
        bx1 = [vx1[pl.ds(o, LANES)] for o in offs]
        by1 = [vy1[pl.ds(o, LANES)] for o in offs]
        bx2 = [vx2[pl.ds(o, LANES)] for o in offs]
        by2 = [vy2[pl.ds(o, LANES)] for o in offs]
        barea = [jnp.maximum(bx2[k] - bx1[k], zero)
                 * jnp.maximum(by2[k] - by1[k], zero) for k in range(GROUP)]

        def gt_step(t, carry):
            st = list(carry)
            for u in range(2):
                j = 2 * t + u
                js = jnp.full((LANES,), j, jnp.int32)
                g1 = plsc.load_gather(vgx1, [js])
                g2 = plsc.load_gather(vgy1, [js])
                g3 = plsc.load_gather(vgx2, [js])
                g4 = plsc.load_gather(vgy2, [js])
                ga = plsc.load_gather(vgarea, [js])
                for k in range(GROUP):
                    ib, sb, xb = st[3 * k], st[3 * k + 1], st[3 * k + 2]
                    w = jnp.maximum(
                        jnp.minimum(bx2[k], g3) - jnp.maximum(bx1[k], g1), zero)
                    h = jnp.minimum(by2[k], g4) - jnp.maximum(by1[k], g2)
                    inter = w * h
                    ss = barea[k] + ga
                    upd = inter * sb > ib * ss
                    st[3 * k] = jnp.where(upd, inter, ib)
                    st[3 * k + 1] = jnp.where(upd, ss, sb)
                    st[3 * k + 2] = jnp.where(upd, js, xb)
            return tuple(st)

        init = (jnp.zeros((LANES,), jnp.float32),
                jnp.ones((LANES,), jnp.float32),
                jnp.zeros((LANES,), jnp.int32)) * GROUP
        st = lax.fori_loop(0, M // 2, gt_step, init)

        for k in range(GROUP):
            a = offs[k]
            inter_b, s_b, idx_b = st[3 * k], st[3 * k + 1], st[3 * k + 2]
            union_b = s_b - inter_b
            iou = inter_b / jnp.maximum(union_b, jnp.float32(1e-10))
            pos = iou >= jnp.float32(POS_IOU_THR)
            neg = iou < jnp.float32(NEG_IOU_THR)

            labg = plsc.load_gather(vglab, [idx_b])
            lab = jnp.where(pos, labg,
                            jnp.where(neg, jnp.zeros((LANES,), jnp.int32),
                                      jnp.full((LANES,), -1, jnp.int32)))
            vlab[pl.ds(a, LANES)] = lab

            neg1 = jnp.full((LANES,), -1.0, jnp.float32)
            rows = iota + a
            for c, src in enumerate((vgx1, vgy1, vgx2, vgy2)):
                oc = jnp.where(pos, plsc.load_gather(src, [idx_b]), neg1)
                plsc.store_scatter(
                    vbox, [rows, jnp.full((LANES,), c, jnp.int32)], oc)

        apg = GROUP * LANES

        @pl.when(jnp.logical_or(not_last, g < APW_LAST // apg))
        def _out_dma():
            pltpu.make_async_copy(vlab.at[pl.ds(gbase, apg)],
                                  olab_h.at[pl.ds(base + gbase, apg)],
                                  sem).start()
            pltpu.make_async_copy(vbox.at[pl.ds(gbase, apg)],
                                  obox_h.at[pl.ds(base + gbase, apg)],
                                  sem).start()

    lax.fori_loop(0, CPW // GROUP, do_group, None)

    for gs in range(CPW // GROUP):
        apg = GROUP * LANES

        @pl.when(jnp.logical_or(not_last, gs < APW_LAST // apg))
        def _out_wait():
            pltpu.make_async_copy(vlab.at[pl.ds(gs * apg, apg)],
                                  olab_h.at[pl.ds(base + gs * apg, apg)],
                                  sem).wait()
            pltpu.make_async_copy(vbox.at[pl.ds(gs * apg, apg)],
                                  obox_h.at[pl.ds(base + gs * apg, apg)],
                                  sem).wait()


def kernel(bboxes, gt_bboxes, gt_labels):
    bx1, by1, bx2, by2 = (bboxes[:, i] for i in range(4))
    gx1, gy1, gx2, gy2 = (gt_bboxes[:, i] for i in range(4))
    olab, obox = _assign(bx1, by1, bx2, by2, gx1, gy1, gx2, gy2,
                         gt_labels.astype(jnp.int32))
    return olab, obox

# --- scband reference (transcript-rebuilt; emitter-appended) ---
"""Pipeline reference for scband-io-uassigner-72353019068752 (READ-ONLY COPY).

The authoritative reference and input builder live on the scoring server;
editing this copy changes nothing except your own understanding.
"""

import jax, jax.numpy as jnp
import numpy as np

POS_IOU_THR = 0.5
NEG_IOU_THR = 0.4

N_BBOXES = 20000
N_GT = 128
N_CLASSES = 80


def setup_inputs(seed: int = 0) -> dict:
    key = jax.random.key(seed)
    k1, k2, k3, k4, k5 = jax.random.split(key, 5)
    # anchors: valid boxes (x1<x2, y1<y2) on a ~512x512 canvas
    xy = jax.random.uniform(k1, (N_BBOXES, 2), dtype=jnp.float32) * 512.0
    wh = jax.random.uniform(k2, (N_BBOXES, 2), dtype=jnp.float32) * 64.0 + 4.0
    bboxes = jnp.concatenate([xy, xy + wh], axis=-1)
    gxy = jax.random.uniform(k3, (N_GT, 2), dtype=jnp.float32) * 512.0
    gwh = jax.random.uniform(k4, (N_GT, 2), dtype=jnp.float32) * 64.0 + 4.0
    gt_bboxes = jnp.concatenate([gxy, gxy + gwh], axis=-1)
    gt_labels = jax.random.randint(k5, (N_GT,), 0, N_CLASSES)
    return {"bboxes": bboxes, "gt_bboxes": gt_bboxes, "gt_labels": gt_labels}


def iou_nd(b1, b2):
    # b1: [N, 2*dim], b2: [M, 2*dim] -> iou [N, M]
    dim = b1.shape[-1] // 2
    lt = jnp.maximum(b1[:, None, :dim], b2[None, :, :dim])
    rb = jnp.minimum(b1[:, None, dim:], b2[None, :, dim:])
    wh = jnp.clip(rb - lt, 0.0, None)
    inter = jnp.prod(wh, axis=-1)
    area1 = jnp.prod(jnp.clip(b1[:, dim:] - b1[:, :dim], 0.0, None), axis=-1)
    area2 = jnp.prod(jnp.clip(b2[:, dim:] - b2[:, :dim], 0.0, None), axis=-1)
    union = area1[:, None] + area2[None, :] - inter
    return inter / jnp.clip(union, 1e-10, None)


def reference(bboxes, gt_bboxes, gt_labels):
    num_gts = gt_bboxes.shape[0]
    iou = iou_nd(bboxes, gt_bboxes)  # [N, M]
    anchors_iou_max = jnp.max(iou, axis=1)
    anchors_iou_argmax = jnp.argmax(iou, axis=1)
    pos_mask = anchors_iou_max >= POS_IOU_THR
    neg_mask = anchors_iou_max < NEG_IOU_THR
    # -1 ignore; 0 negative; +n matched gt index (1-based). pos overrides neg.
    assigned_gt_indices = jnp.full_like(anchors_iou_argmax, -1)
    assigned_gt_indices = jnp.where(neg_mask, 0, assigned_gt_indices)
    assigned_gt_indices = jnp.where(pos_mask, anchors_iou_argmax + 1, assigned_gt_indices)
    pos = assigned_gt_indices > 0
    neg = assigned_gt_indices == 0
    safe_idx = jnp.clip(assigned_gt_indices - 1, 0, num_gts - 1)
    assigned_labels = jnp.full_like(assigned_gt_indices, -1)
    assigned_labels = jnp.where(neg, 0, assigned_labels)
    assigned_labels = jnp.where(pos, jnp.take(gt_labels, safe_idx, axis=0), assigned_labels)
    assigned_bboxes = jnp.where(pos[:, None], jnp.take(gt_bboxes, safe_idx, axis=0), jnp.full_like(bboxes, -1.0))
    return (assigned_labels, assigned_bboxes)

if __name__ == "__main__":
    import jax
    _d = setup_inputs()
    print(jax.jit(kernel)(*tuple(_d.values())))

</pallas_src>

<mosaic_0001>
#map = affine_map<(d0, d1) -> (0)>
#map1 = affine_map<(d0, d1) -> (0, 0)>
module attributes {stable_mosaic.version = 14 : i64} {
  func.func @_assign(%arg0: i32, %arg1: i32, %arg2: memref<20000xf32, #tpu.memory_space<hbm>>, %arg3: memref<20000xf32, #tpu.memory_space<hbm>>, %arg4: memref<20000xf32, #tpu.memory_space<hbm>>, %arg5: memref<20000xf32, #tpu.memory_space<hbm>>, %arg6: memref<128xf32, #tpu.memory_space<hbm>>, %arg7: memref<128xf32, #tpu.memory_space<hbm>>, %arg8: memref<128xf32, #tpu.memory_space<hbm>>, %arg9: memref<128xf32, #tpu.memory_space<hbm>>, %arg10: memref<128xi32, #tpu.memory_space<hbm>>, %arg11: memref<20000xi32, #tpu.memory_space<hbm>>, %arg12: memref<20000x4xf32, #tpu.memory_space<hbm>>, %arg13: memref<640xf32, #tpu.memory_space<vmem>>, %arg14: memref<640xf32, #tpu.memory_space<vmem>>, %arg15: memref<640xf32, #tpu.memory_space<vmem>>, %arg16: memref<640xf32, #tpu.memory_space<vmem>>, %arg17: memref<128xf32, #tpu.memory_space<vmem>>, %arg18: memref<128xf32, #tpu.memory_space<vmem>>, %arg19: memref<128xf32, #tpu.memory_space<vmem>>, %arg20: memref<128xf32, #tpu.memory_space<vmem>>, %arg21: memref<128xf32, #tpu.memory_space<vmem>>, %arg22: memref<128xi32, #tpu.memory_space<vmem>>, %arg23: memref<640xi32, #tpu.memory_space<vmem>>, %arg24: memref<640x4xf32, #tpu.memory_space<vmem>>, %arg25: memref<!tpu.dma_semaphore, #tpu.memory_space<semaphore_mem>>) attributes {dimension_semantics = [#tpu.dimension_semantics<core_parallel>, #tpu.dimension_semantics<subcore_parallel>], iteration_bounds = array<i64: 2, 16>, scalar_prefetch = 0 : i64, scratch_operands = 13 : i64, tpu.core_type = #tpu.core_type<sc_vector_subcore>, window_params = [{transform_indices = #map}, {transform_indices = #map}, {transform_indices = #map}, {transform_indices = #map}, {transform_indices = #map}, {transform_indices = #map}, {transform_indices = #map}, {transform_indices = #map}, {transform_indices = #map}, {transform_indices = #map}, {transform_indices = #map1}]} {
    %mul3A = arith.constant 2 : i32
    %mul3A_0 = arith.muli %arg1, %mul3A : i32
    %add3A = arith.addi %mul3A_0, %arg0 : i32
    %mul3A_1 = arith.constant 640 : i32
    %mul3A_2 = arith.muli %add3A, %mul3A_1 : i32
    %lt3A = arith.constant 31 : i32
    %lt3A_3 = arith.cmpi slt, %add3A, %lt3A : i32
    %dma_start3A = arith.constant 0 : i32
    %dma_start3A_4 = tpu.memref_slice %arg13[%dma_start3A] : memref<640xf32, #tpu.memory_space<vmem>> -> memref<160xf32, #tpu.memory_space<vmem>>
    %dma_start3A_5 = tpu.memref_slice %arg2[%mul3A_2] : memref<20000xf32, #tpu.memory_space<hbm>> -> memref<160xf32, #tpu.memory_space<hbm>>
    %dma_start3A_6 = arith.constant 0 : i32
    %dma_start3A_7 = tpu.memref_slice %arg13[%dma_start3A_6] : memref<640xf32, #tpu.memory_space<vmem>> -> memref<160xf32, #tpu.memory_space<vmem>>
    %dma_start3A_8 = tpu.memref_slice %arg2[%mul3A_2] : memref<20000xf32, #tpu.memory_space<hbm>> -> memref<160xf32, #tpu.memory_space<hbm>>
    tpu.enqueue_dma source(%dma_start3A_8 : memref<160xf32, #tpu.memory_space<hbm>>) target(%dma_start3A_7 : memref<160xf32, #tpu.memory_space<vmem>>) target_semaphore(%arg25 : memref<!tpu.dma_semaphore, #tpu.memory_space<semaphore_mem>>)
    %dma_start3A_9 = arith.constant 0 : i32
    %dma_start3A_10 = tpu.memref_slice %arg14[%dma_start3A_9] : memref<640xf32, #tpu.memory_space<vmem>> -> memref<160xf32, #tpu.memory_space<vmem>>
    %dma_start3A_11 = tpu.memref_slice %arg3[%mul3A_2] : memref<20000xf32, #tpu.memory_space<hbm>> -> memref<160xf32, #tpu.memory_space<hbm>>
    %dma_start3A_12 = arith.constant 0 : i32
    %dma_start3A_13 = tpu.memref_slice %arg14[%dma_start3A_12] : memref<640xf32, #tpu.memory_space<vmem>> -> memref<160xf32, #tpu.memory_space<vmem>>
    %dma_start3A_14 = tpu.memref_slice %arg3[%mul3A_2] : memref<20000xf32, #tpu.memory_space<hbm>> -> memref<160xf32, #tpu.memory_space<hbm>>
    tpu.enqueue_dma source(%dma_start3A_14 : memref<160xf32, #tpu.memory_space<hbm>>) target(%dma_start3A_13 : memref<160xf32, #tpu.memory_space<vmem>>) target_semaphore(%arg25 : memref<!tpu.dma_semaphore, #tpu.memory_space<semaphore_mem>>)
    %dma_start3A_15 = arith.constant 0 : i32
    %dma_start3A_16 = tpu.memref_slice %arg15[%dma_start3A_15] : memref<640xf32, #tpu.memory_space<vmem>> -> memref<160xf32, #tpu.memory_space<vmem>>
    %dma_start3A_17 = tpu.memref_slice %arg4[%mul3A_2] : memref<20000xf32, #tpu.memory_space<hbm>> -> memref<160xf32, #tpu.memory_space<hbm>>
    %dma_start3A_18 = arith.constant 0 : i32
    %dma_start3A_19 = tpu.memref_slice %arg15[%dma_start3A_18] : memref<640xf32, #tpu.memory_space<vmem>> -> memref<160xf32, #tpu.memory_space<vmem>>
    %dma_start3A_20 = tpu.memref_slice %arg4[%mul3A_2] : memref<20000xf32, #tpu.memory_space<hbm>> -> memref<160xf32, #tpu.memory_space<hbm>>
    tpu.enqueue_dma source(%dma_start3A_20 : memref<160xf32, #tpu.memory_space<hbm>>) target(%dma_start3A_19 : memref<160xf32, #tpu.memory_space<vmem>>) target_semaphore(%arg25 : memref<!tpu.dma_semaphore, #tpu.memory_space<semaphore_mem>>)
    %dma_start3A_21 = arith.constant 0 : i32
    %dma_start3A_22 = tpu.memref_slice %arg16[%dma_start3A_21] : memref<640xf32, #tpu.memory_space<vmem>> -> memref<160xf32, #tpu.memory_space<vmem>>
    %dma_start3A_23 = tpu.memref_slice %arg5[%mul3A_2] : memref<20000xf32, #tpu.memory_space<hbm>> -> memref<160xf32, #tpu.memory_space<hbm>>
    %dma_start3A_24 = arith.constant 0 : i32
    %dma_start3A_25 = tpu.memref_slice %arg16[%dma_start3A_24] : memref<640xf32, #tpu.memory_space<vmem>> -> memref<160xf32, #tpu.memory_space<vmem>>
    %dma_start3A_26 = tpu.memref_slice %arg5[%mul3A_2] : memref<20000xf32, #tpu.memory_space<hbm>> -> memref<160xf32, #tpu.memory_space<hbm>>
    tpu.enqueue_dma source(%dma_start3A_26 : memref<160xf32, #tpu.memory_space<hbm>>) target(%dma_start3A_25 : memref<160xf32, #tpu.memory_space<vmem>>) target_semaphore(%arg25 : memref<!tpu.dma_semaphore, #tpu.memory_space<semaphore_mem>>)
    tpu.enqueue_dma source(%arg6 : memref<128xf32, #tpu.memory_space<hbm>>) target(%arg17 : memref<128xf32, #tpu.memory_space<vmem>>) target_semaphore(%arg25 : memref<!tpu.dma_semaphore, #tpu.memory_space<semaphore_mem>>)
    tpu.enqueue_dma source(%arg7 : memref<128xf32, #tpu.memory_space<hbm>>) target(%arg18 : memref<128xf32, #tpu.memory_space<vmem>>) target_semaphore(%arg25 : memref<!tpu.dma_semaphore, #tpu.memory_space<semaphore_mem>>)
    tpu.enqueue_dma source(%arg8 : memref<128xf32, #tpu.memory_space<hbm>>) target(%arg19 : memref<128xf32, #tpu.memory_space<vmem>>) target_semaphore(%arg25 : memref<!tpu.dma_semaphore, #tpu.memory_space<semaphore_mem>>)
    tpu.enqueue_dma source(%arg9 : memref<128xf32, #tpu.memory_space<hbm>>) target(%arg20 : memref<128xf32, #tpu.memory_space<vmem>>) target_semaphore(%arg25 : memref<!tpu.dma_semaphore, #tpu.memory_space<semaphore_mem>>)
    tpu.enqueue_dma source(%arg10 : memref<128xi32, #tpu.memory_space<hbm>>) target(%arg22 : memref<128xi32, #tpu.memory_space<vmem>>) target_semaphore(%arg25 : memref<!tpu.dma_semaphore, #tpu.memory_space<semaphore_mem>>)
    %add3A_27 = arith.constant 160 : i32
    %add3A_28 = arith.addi %mul3A_2, %add3A_27 : i32
    %add3A_29 = arith.constant 160 : i32
    %add3A_30 = arith.addi %mul3A_2, %add3A_29 : i32
    %add3A_31 = arith.constant 160 : i32
    %add3A_32 = arith.addi %mul3A_2, %add3A_31 : i32
    %add3A_33 = arith.constant 160 : i32
    %add3A_34 = arith.addi %mul3A_2, %add3A_33 : i32
    %convert_element_type3A = arith.extui %lt3A_3 : i1 to i32
    %cond3A = arith.constant 0 : i32
    %cond3A_35 = arith.cmpi ne, %convert_element_type3A, %cond3A : i32
    scf.if %cond3A_35 {
      %dma_start3A_254 = arith.constant 160 : i32
      %dma_start3A_255 = tpu.memref_slice %arg13[%dma_start3A_254] : memref<640xf32, #tpu.memory_space<vmem>> -> memref<480xf32, #tpu.memory_space<vmem>>
      %dma_start3A_256 = tpu.memref_slice %arg2[%add3A_28] : memref<20000xf32, #tpu.memory_space<hbm>> -> memref<480xf32, #tpu.memory_space<hbm>>
      %dma_start3A_257 = arith.constant 160 : i32
      %dma_start3A_258 = tpu.memref_slice %arg13[%dma_start3A_257] : memref<640xf32, #tpu.memory_space<vmem>> -> memref<480xf32, #tpu.memory_space<vmem>>
      %dma_start3A_259 = tpu.memref_slice %arg2[%add3A_28] : memref<20000xf32, #tpu.memory_space<hbm>> -> memref<480xf32, #tpu.memory_space<hbm>>
      tpu.enqueue_dma source(%dma_start3A_259 : memref<480xf32, #tpu.memory_space<hbm>>) target(%dma_start3A_258 : memref<480xf32, #tpu.memory_space<vmem>>) target_semaphore(%arg25 : memref<!tpu.dma_semaphore, #tpu.memory_space<semaphore_mem>>)
      %dma_start3A_260 = arith.constant 160 : i32
      %dma_start3A_261 = tpu.memref_slice %arg14[%dma_start3A_260] : memref<640xf32, #tpu.memory_space<vmem>> -> memref<480xf32, #tpu.memory_space<vmem>>
      %dma_start3A_262 = tpu.memref_slice %arg3[%add3A_30] : memref<20000xf32, #tpu.memory_space<hbm>> -> memref<480xf32, #tpu.memory_space<hbm>>
      %dma_start3A_263 = arith.constant 160 : i32
      %dma_start3A_264 = tpu.memref_slice %arg14[%dma_start3A_263] : memref<640xf32, #tpu.memory_space<vmem>> -> memref<480xf32, #tpu.memory_space<vmem>>
      %dma_start3A_265 = tpu.memref_slice %arg3[%add3A_30] : memref<20000xf32, #tpu.memory_space<hbm>> -> memref<480xf32, #tpu.memory_space<hbm>>
      tpu.enqueue_dma source(%dma_start3A_265 : memref<480xf32, #tpu.memory_space<hbm>>) target(%dma_start3A_264 : memref<480xf32, #tpu.memory_space<vmem>>) target_semaphore(%arg25 : memref<!tpu.dma_semaphore, #tpu.memory_space<semaphore_mem>>)
      %dma_start3A_266 = arith.constant 160 : i32
      %dma_start3A_267 = tpu.memref_slice %arg15[%dma_start3A_266] : memref<640xf32, #tpu.memory_space<vmem>> -> memref<480xf32, #tpu.memory_space<vmem>>
      %dma_start3A_268 = tpu.memref_slice %arg4[%add3A_32] : memref<20000xf32, #tpu.memory_space<hbm>> -> memref<480xf32, #tpu.memory_space<hbm>>
      %dma_start3A_269 = arith.constant 160 : i32
      %dma_start3A_270 = tpu.memref_slice %arg15[%dma_start3A_269] : memref<640xf32, #tpu.memory_space<vmem>> -> memref<480xf32, #tpu.memory_space<vmem>>
      %dma_start3A_271 = tpu.memref_slice %arg4[%add3A_32] : memref<20000xf32, #tpu.memory_space<hbm>> -> memref<480xf32, #tpu.memory_space<hbm>>
      tpu.enqueue_dma source(%dma_start3A_271 : memref<480xf32, #tpu.memory_space<hbm>>) target(%dma_start3A_270 : memref<480xf32, #tpu.memory_space<vmem>>) target_semaphore(%arg25 : memref<!tpu.dma_semaphore, #tpu.memory_space<semaphore_mem>>)
      %dma_start3A_272 = arith.constant 160 : i32
      %dma_start3A_273 = tpu.memref_slice %arg16[%dma_start3A_272] : memref<640xf32, #tpu.memory_space<vmem>> -> memref<480xf32, #tpu.memory_space<vmem>>
      %dma_start3A_274 = tpu.memref_slice %arg5[%add3A_34] : memref<20000xf32, #tpu.memory_space<hbm>> -> memref<480xf32, #tpu.memory_space<hbm>>
      %dma_start3A_275 = arith.constant 160 : i32
      %dma_start3A_276 = tpu.memref_slice %arg16[%dma_start3A_275] : memref<640xf32, #tpu.memory_space<vmem>> -> memref<480xf32, #tpu.memory_space<vmem>>
      %dma_start3A_277 = tpu.memref_slice %arg5[%add3A_34] : memref<20000xf32, #tpu.memory_space<hbm>> -> memref<480xf32, #tpu.memory_space<hbm>>
      tpu.enqueue_dma source(%dma_start3A_277 : memref<480xf32, #tpu.memory_space<hbm>>) target(%dma_start3A_276 : memref<480xf32, #tpu.memory_space<vmem>>) target_semaphore(%arg25 : memref<!tpu.dma_semaphore, #tpu.memory_space<semaphore_mem>>)
    } else {
    }
    %dma_wait3A = arith.constant 0 : i32
    %dma_wait3A_36 = tpu.memref_slice %arg13[%dma_wait3A] : memref<640xf32, #tpu.memory_space<vmem>> -> memref<160xf32, #tpu.memory_space<vmem>>
    %dma_wait3A_37 = tpu.memref_slice %arg2[%mul3A_2] : memref<20000xf32, #tpu.memory_space<hbm>> -> memref<160xf32, #tpu.memory_space<hbm>>
    %dma_wait3A_38 = arith.constant 0 : i32
    %dma_wait3A_39 = tpu.memref_slice %arg13[%dma_wait3A_38] : memref<640xf32, #tpu.memory_space<vmem>> -> memref<160xf32, #tpu.memory_space<vmem>>
    %dma_wait3A_40 = tpu.memref_slice %arg2[%mul3A_2] : memref<20000xf32, #tpu.memory_space<hbm>> -> memref<160xf32, #tpu.memory_space<hbm>>
    tpu.wait_dma2 semaphore(%arg25 : memref<!tpu.dma_semaphore, #tpu.memory_space<semaphore_mem>>) src(%dma_wait3A_40 : memref<160xf32, #tpu.memory_space<hbm>>) dst(%dma_wait3A_39 : memref<160xf32, #tpu.memory_space<vmem>>)
    %dma_wait3A_41 = arith.constant 0 : i32
    %dma_wait3A_42 = tpu.memref_slice %arg14[%dma_wait3A_41] : memref<640xf32, #tpu.memory_space<vmem>> -> memref<160xf32, #tpu.memory_space<vmem>>
    %dma_wait3A_43 = tpu.memref_slice %arg3[%mul3A_2] : memref<20000xf32, #tpu.memory_space<hbm>> -> memref<160xf32, #tpu.memory_space<hbm>>
    %dma_wait3A_44 = arith.constant 0 : i32
    %dma_wait3A_45 = tpu.memref_slice %arg14[%dma_wait3A_44] : memref<640xf32, #tpu.memory_space<vmem>> -> memref<160xf32, #tpu.memory_space<vmem>>
    %dma_wait3A_46 = tpu.memref_slice %arg3[%mul3A_2] : memref<20000xf32, #tpu.memory_space<hbm>> -> memref<160xf32, #tpu.memory_space<hbm>>
    tpu.wait_dma2 semaphore(%arg25 : memref<!tpu.dma_semaphore, #tpu.memory_space<semaphore_mem>>) src(%dma_wait3A_46 : memref<160xf32, #tpu.memory_space<hbm>>) dst(%dma_wait3A_45 : memref<160xf32, #tpu.memory_space<vmem>>)
    %dma_wait3A_47 = arith.constant 0 : i32
    %dma_wait3A_48 = tpu.memref_slice %arg15[%dma_wait3A_47] : memref<640xf32, #tpu.memory_space<vmem>> -> memref<160xf32, #tpu.memory_space<vmem>>
    %dma_wait3A_49 = tpu.memref_slice %arg4[%mul3A_2] : memref<20000xf32, #tpu.memory_space<hbm>> -> memref<160xf32, #tpu.memory_space<hbm>>
    %dma_wait3A_50 = arith.constant 0 : i32
    %dma_wait3A_51 = tpu.memref_slice %arg15[%dma_wait3A_50] : memref<640xf32, #tpu.memory_space<vmem>> -> memref<160xf32, #tpu.memory_space<vmem>>
    %dma_wait3A_52 = tpu.memref_slice %arg4[%mul3A_2] : memref<20000xf32, #tpu.memory_space<hbm>> -> memref<160xf32, #tpu.memory_space<hbm>>
    tpu.wait_dma2 semaphore(%arg25 : memref<!tpu.dma_semaphore, #tpu.memory_space<semaphore_mem>>) src(%dma_wait3A_52 : memref<160xf32, #tpu.memory_space<hbm>>) dst(%dma_wait3A_51 : memref<160xf32, #tpu.memory_space<vmem>>)
    %dma_wait3A_53 = arith.constant 0 : i32
    %dma_wait3A_54 = tpu.memref_slice %arg16[%dma_wait3A_53] : memref<640xf32, #tpu.memory_space<vmem>> -> memref<160xf32, #tpu.memory_space<vmem>>
    %dma_wait3A_55 = tpu.memref_slice %arg5[%mul3A_2] : memref<20000xf32, #tpu.memory_space<hbm>> -> memref<160xf32, #tpu.memory_space<hbm>>
    %dma_wait3A_56 = arith.constant 0 : i32
    %dma_wait3A_57 = tpu.memref_slice %arg16[%dma_wait3A_56] : memref<640xf32, #tpu.memory_space<vmem>> -> memref<160xf32, #tpu.memory_space<vmem>>
    %dma_wait3A_58 = tpu.memref_slice %arg5[%mul3A_2] : memref<20000xf32, #tpu.memory_space<hbm>> -> memref<160xf32, #tpu.memory_space<hbm>>
    tpu.wait_dma2 semaphore(%arg25 : memref<!tpu.dma_semaphore, #tpu.memory_space<semaphore_mem>>) src(%dma_wait3A_58 : memref<160xf32, #tpu.memory_space<hbm>>) dst(%dma_wait3A_57 : memref<160xf32, #tpu.memory_space<vmem>>)
    tpu.wait_dma2 semaphore(%arg25 : memref<!tpu.dma_semaphore, #tpu.memory_space<semaphore_mem>>) src(%arg6 : memref<128xf32, #tpu.memory_space<hbm>>) dst(%arg17 : memref<128xf32, #tpu.memory_space<vmem>>)
    tpu.wait_dma2 semaphore(%arg25 : memref<!tpu.dma_semaphore, #tpu.memory_space<semaphore_mem>>) src(%arg7 : memref<128xf32, #tpu.memory_space<hbm>>) dst(%arg18 : memref<128xf32, #tpu.memory_space<vmem>>)
    tpu.wait_dma2 semaphore(%arg25 : memref<!tpu.dma_semaphore, #tpu.memory_space<semaphore_mem>>) src(%arg8 : memref<128xf32, #tpu.memory_space<hbm>>) dst(%arg19 : memref<128xf32, #tpu.memory_space<vmem>>)
    tpu.wait_dma2 semaphore(%arg25 : memref<!tpu.dma_semaphore, #tpu.memory_space<semaphore_mem>>) src(%arg9 : memref<128xf32, #tpu.memory_space<hbm>>) dst(%arg20 : memref<128xf32, #tpu.memory_space<vmem>>)
    tpu.wait_dma2 semaphore(%arg25 : memref<!tpu.dma_semaphore, #tpu.memory_space<semaphore_mem>>) src(%arg10 : memref<128xi32, #tpu.memory_space<hbm>>) dst(%arg22 : memref<128xi32, #tpu.memory_space<vmem>>)
    %convert_element_type3A_59 = arith.extui %lt3A_3 : i1 to i32
    %cond3A_60 = arith.constant 0 : i32
    %cond3A_61 = arith.cmpi ne, %convert_element_type3A_59, %cond3A_60 : i32
    scf.if %cond3A_61 {
      %dma_wait3A_254 = arith.constant 160 : i32
      %dma_wait3A_255 = tpu.memref_slice %arg13[%dma_wait3A_254] : memref<640xf32, #tpu.memory_space<vmem>> -> memref<480xf32, #tpu.memory_space<vmem>>
      %dma_wait3A_256 = tpu.memref_slice %arg2[%add3A_28] : memref<20000xf32, #tpu.memory_space<hbm>> -> memref<480xf32, #tpu.memory_space<hbm>>
      %dma_wait3A_257 = arith.constant 160 : i32
      %dma_wait3A_258 = tpu.memref_slice %arg13[%dma_wait3A_257] : memref<640xf32, #tpu.memory_space<vmem>> -> memref<480xf32, #tpu.memory_space<vmem>>
      %dma_wait3A_259 = tpu.memref_slice %arg2[%add3A_28] : memref<20000xf32, #tpu.memory_space<hbm>> -> memref<480xf32, #tpu.memory_space<hbm>>
      tpu.wait_dma2 semaphore(%arg25 : memref<!tpu.dma_semaphore, #tpu.memory_space<semaphore_mem>>) src(%dma_wait3A_259 : memref<480xf32, #tpu.memory_space<hbm>>) dst(%dma_wait3A_258 : memref<480xf32, #tpu.memory_space<vmem>>)
      %dma_wait3A_260 = arith.constant 160 : i32
      %dma_wait3A_261 = tpu.memref_slice %arg14[%dma_wait3A_260] : memref<640xf32, #tpu.memory_space<vmem>> -> memref<480xf32, #tpu.memory_space<vmem>>
      %dma_wait3A_262 = tpu.memref_slice %arg3[%add3A_30] : memref<20000xf32, #tpu.memory_space<hbm>> -> memref<480xf32, #tpu.memory_space<hbm>>
      %dma_wait3A_263 = arith.constant 160 : i32
      %dma_wait3A_264 = tpu.memref_slice %arg14[%dma_wait3A_263] : memref<640xf32, #tpu.memory_space<vmem>> -> memref<480xf32, #tpu.memory_space<vmem>>
      %dma_wait3A_265 = tpu.memref_slice %arg3[%add3A_30] : memref<20000xf32, #tpu.memory_space<hbm>> -> memref<480xf32, #tpu.memory_space<hbm>>
      tpu.wait_dma2 semaphore(%arg25 : memref<!tpu.dma_semaphore, #tpu.memory_space<semaphore_mem>>) src(%dma_wait3A_265 : memref<480xf32, #tpu.memory_space<hbm>>) dst(%dma_wait3A_264 : memref<480xf32, #tpu.memory_space<vmem>>)
      %dma_wait3A_266 = arith.constant 160 : i32
      %dma_wait3A_267 = tpu.memref_slice %arg15[%dma_wait3A_266] : memref<640xf32, #tpu.memory_space<vmem>> -> memref<480xf32, #tpu.memory_space<vmem>>
      %dma_wait3A_268 = tpu.memref_slice %arg4[%add3A_32] : memref<20000xf32, #tpu.memory_space<hbm>> -> memref<480xf32, #tpu.memory_space<hbm>>
      %dma_wait3A_269 = arith.constant 160 : i32
      %dma_wait3A_270 = tpu.memref_slice %arg15[%dma_wait3A_269] : memref<640xf32, #tpu.memory_space<vmem>> -> memref<480xf32, #tpu.memory_space<vmem>>
      %dma_wait3A_271 = tpu.memref_slice %arg4[%add3A_32] : memref<20000xf32, #tpu.memory_space<hbm>> -> memref<480xf32, #tpu.memory_space<hbm>>
      tpu.wait_dma2 semaphore(%arg25 : memref<!tpu.dma_semaphore, #tpu.memory_space<semaphore_mem>>) src(%dma_wait3A_271 : memref<480xf32, #tpu.memory_space<hbm>>) dst(%dma_wait3A_270 : memref<480xf32, #tpu.memory_space<vmem>>)
      %dma_wait3A_272 = arith.constant 160 : i32
      %dma_wait3A_273 = tpu.memref_slice %arg16[%dma_wait3A_272] : memref<640xf32, #tpu.memory_space<vmem>> -> memref<480xf32, #tpu.memory_space<vmem>>
      %dma_wait3A_274 = tpu.memref_slice %arg5[%add3A_34] : memref<20000xf32, #tpu.memory_space<hbm>> -> memref<480xf32, #tpu.memory_space<hbm>>
      %dma_wait3A_275 = arith.constant 160 : i32
      %dma_wait3A_276 = tpu.memref_slice %arg16[%dma_wait3A_275] : memref<640xf32, #tpu.memory_space<vmem>> -> memref<480xf32, #tpu.memory_space<vmem>>
      %dma_wait3A_277 = tpu.memref_slice %arg5[%add3A_34] : memref<20000xf32, #tpu.memory_space<hbm>> -> memref<480xf32, #tpu.memory_space<hbm>>
      tpu.wait_dma2 semaphore(%arg25 : memref<!tpu.dma_semaphore, #tpu.memory_space<semaphore_mem>>) src(%dma_wait3A_277 : memref<480xf32, #tpu.memory_space<hbm>>) dst(%dma_wait3A_276 : memref<480xf32, #tpu.memory_space<vmem>>)
    } else {
    }
    %get3A = arith.constant 0 : index
    %get3A_62 = tpu.vector_load %arg17[%get3A] {strides = array<i32>} : memref<128xf32, #tpu.memory_space<vmem>>, vector<16xf32>,
    %get3A_63 = arith.constant 0 : index
    %get3A_64 = tpu.vector_load %arg18[%get3A_63] {strides = array<i32>} : memref<128xf32, #tpu.memory_space<vmem>>, vector<16xf32>,
    %get3A_65 = arith.constant 0 : index
    %get3A_66 = tpu.vector_load %arg19[%get3A_65] {strides = array<i32>} : memref<128xf32, #tpu.memory_space<vmem>>, vector<16xf32>,
    %get3A_67 = arith.constant 0 : index
    %get3A_68 = tpu.vector_load %arg20[%get3A_67] {strides = array<i32>} : memref<128xf32, #tpu.memory_space<vmem>>, vector<16xf32>,
    %sub3A = arith.subf %get3A_66, %get3A_62 : vector<16xf32>
    %max3A = arith.constant 0.000000e+00 : f32
    %max3A_69 = vector.broadcast %max3A : f32 to vector<16xf32>
    %max3A_70 = arith.maximumf %sub3A, %max3A_69 : vector<16xf32>
    %sub3A_71 = arith.subf %get3A_68, %get3A_64 : vector<16xf32>
    %max3A_72 = arith.constant 0.000000e+00 : f32
    %max3A_73 = vector.broadcast %max3A_72 : f32 to vector<16xf32>
    %max3A_74 = arith.maximumf %sub3A_71, %max3A_73 : vector<16xf32>
    %mul3A_75 = arith.mulf %max3A_70, %max3A_74 : vector<16xf32>
    %swap3A = arith.constant 0 : index
    %swap3A_76 = tpu.vector_load %arg21[%swap3A] {strides = array<i32>} : memref<128xf32, #tpu.memory_space<vmem>>, vector<16xf32>,
    tpu.vector_store %arg21[%swap3A], %mul3A_75 {strides = array<i32>} : memref<128xf32, #tpu.memory_space<vmem>>, vector<16xf32>,
    %get3A_77 = arith.constant 16 : index
    %get3A_78 = tpu.vector_load %arg17[%get3A_77] {strides = array<i32>} : memref<128xf32, #tpu.memory_space<vmem>>, vector<16xf32>,
    %get3A_79 = arith.constant 16 : index
    %get3A_80 = tpu.vector_load %arg18[%get3A_79] {strides = array<i32>} : memref<128xf32, #tpu.memory_space<vmem>>, vector<16xf32>,
    %get3A_81 = arith.constant 16 : index
    %get3A_82 = tpu.vector_load %arg19[%get3A_81] {strides = array<i32>} : memref<128xf32, #tpu.memory_space<vmem>>, vector<16xf32>,
    %get3A_83 = arith.constant 16 : index
    %get3A_84 = tpu.vector_load %arg20[%get3A_83] {strides = array<i32>} : memref<128xf32, #tpu.memory_space<vmem>>, vector<16xf32>,
    %sub3A_85 = arith.subf %get3A_82, %get3A_78 : vector<16xf32>
    %max3A_86 = arith.constant 0.000000e+00 : f32
    %max3A_87 = vector.broadcast %max3A_86 : f32 to vector<16xf32>
    %max3A_88 = arith.maximumf %sub3A_85, %max3A_87 : vector<16xf32>
    %sub3A_89 = arith.subf %get3A_84, %get3A_80 : vector<16xf32>
    %max3A_90 = arith.constant 0.000000e+00 : f32
    %max3A_91 = vector.broadcast %max3A_90 : f32 to vector<16xf32>
    %max3A_92 = arith.maximumf %sub3A_89, %max3A_91 : vector<16xf32>
    %mul3A_93 = arith.mulf %max3A_88, %max3A_92 : vector<16xf32>
    %swap3A_94 = arith.constant 16 : index
    %swap3A_95 = tpu.vector_load %arg21[%swap3A_94] {strides = array<i32>} : memref<128xf32, #tpu.memory_space<vmem>>, vector<16xf32>,
    tpu.vector_store %arg21[%swap3A_94], %mul3A_93 {strides = array<i32>} : memref<128xf32, #tpu.memory_space<vmem>>, vector<16xf32>,
    %get3A_96 = arith.constant 32 : index
    %get3A_97 = tpu.vector_load %arg17[%get3A_96] {strides = array<i32>} : memref<128xf32, #tpu.memory_space<vmem>>, vector<16xf32>,
    %get3A_98 = arith.constant 32 : index
    %get3A_99 = tpu.vector_load %arg18[%get3A_98] {strides = array<i32>} : memref<128xf32, #tpu.memory_space<vmem>>, vector<16xf32>,
    %get3A_100 = arith.constant 32 : index
    %get3A_101 = tpu.vector_load %arg19[%get3A_100] {strides = array<i32>} : memref<128xf32, #tpu.memory_space<vmem>>, vector<16xf32>,
    %get3A_102 = arith.constant 32 : index
    %get3A_103 = tpu.vector_load %arg20[%get3A_102] {strides = array<i32>} : memref<128xf32, #tpu.memory_space<vmem>>, vector<16xf32>,
    %sub3A_104 = arith.subf %get3A_101, %get3A_97 : vector<16xf32>
    %max3A_105 = arith.constant 0.000000e+00 : f32
    %max3A_106 = vector.broadcast %max3A_105 : f32 to vector<16xf32>
    %max3A_107 = arith.maximumf %sub3A_104, %max3A_106 : vector<16xf32>
    %sub3A_108 = arith.subf %get3A_103, %get3A_99 : vector<16xf32>
    %max3A_109 = arith.constant 0.000000e+00 : f32
    %max3A_110 = vector.broadcast %max3A_109 : f32 to vector<16xf32>
    %max3A_111 = arith.maximumf %sub3A_108, %max3A_110 : vector<16xf32>
    %mul3A_112 = arith.mulf %max3A_107, %max3A_111 : vector<16xf32>
    %swap3A_113 = arith.constant 32 : index
    %swap3A_114 = tpu.vector_load %arg21[%swap3A_113] {strides = array<i32>} : memref<128xf32, #tpu.memory_space<vmem>>, vector<16xf32>,
    tpu.vector_store %arg21[%swap3A_113], %mul3A_112 {strides = array<i32>} : memref<128xf32, #tpu.memory_space<vmem>>, vector<16xf32>,
    %get3A_115 = arith.constant 48 : index
    %get3A_116 = tpu.vector_load %arg17[%get3A_115] {strides = array<i32>} : memref<128xf32, #tpu.memory_space<vmem>>, vector<16xf32>,
    %get3A_117 = arith.constant 48 : index
    %get3A_118 = tpu.vector_load %arg18[%get3A_117] {strides = array<i32>} : memref<128xf32, #tpu.memory_space<vmem>>, vector<16xf32>,
    %get3A_119 = arith.constant 48 : index
    %get3A_120 = tpu.vector_load %arg19[%get3A_119] {strides = array<i32>} : memref<128xf32, #tpu.memory_space<vmem>>, vector<16xf32>,
    %get3A_121 = arith.constant 48 : index
    %get3A_122 = tpu.vector_load %arg20[%get3A_121] {strides = array<i32>} : memref<128xf32, #tpu.memory_space<vmem>>, vector<16xf32>,
    %sub3A_123 = arith.subf %get3A_120, %get3A_116 : vector<16xf32>
    %max3A_124 = arith.constant 0.000000e+00 : f32
    %max3A_125 = vector.broadcast %max3A_124 : f32 to vector<16xf32>
    %max3A_126 = arith.maximumf %sub3A_123, %max3A_125 : vector<16xf32>
    %sub3A_127 = arith.subf %get3A_122, %get3A_118 : vector<16xf32>
    %max3A_128 = arith.constant 0.000000e+00 : f32
    %max3A_129 = vector.broadcast %max3A_128 : f32 to vector<16xf32>
    %max3A_130 = arith.maximumf %sub3A_127, %max3A_129 : vector<16xf32>
    %mul3A_131 = arith.mulf %max3A_126, %max3A_130 : vector<16xf32>
    %swap3A_132 = arith.constant 48 : index
    %swap3A_133 = tpu.vector_load %arg21[%swap3A_132] {strides = array<i32>} : memref<128xf32, #tpu.memory_space<vmem>>, vector<16xf32>,
    tpu.vector_store %arg21[%swap3A_132], %mul3A_131 {strides = array<i32>} : memref<128xf32, #tpu.memory_space<vmem>>, vector<16xf32>,
    %get3A_134 = arith.constant 64 : index
    %get3A_135 = tpu.vector_load %arg17[%get3A_134] {strides = array<i32>} : memref<128xf32, #tpu.memory_space<vmem>>, vector<16xf32>,
    %get3A_136 = arith.constant 64 : index
    %get3A_137 = tpu.vector_load %arg18[%get3A_136] {strides = array<i32>} : memref<128xf32, #tpu.memory_space<vmem>>, vector<16xf32>,
    %get3A_138 = arith.constant 64 : index
    %get3A_139 = tpu.vector_load %arg19[%get3A_138] {strides = array<i32>} : memref<128xf32, #tpu.memory_space<vmem>>, vector<16xf32>,
    %get3A_140 = arith.constant 64 : index
    %get3A_141 = tpu.vector_load %arg20[%get3A_140] {strides = array<i32>} : memref<128xf32, #tpu.memory_space<vmem>>, vector<16xf32>,
    %sub3A_142 = arith.subf %get3A_139, %get3A_135 : vector<16xf32>
    %max3A_143 = arith.constant 0.000000e+00 : f32
    %max3A_144 = vector.broadcast %max3A_143 : f32 to vector<16xf32>
    %max3A_145 = arith.maximumf %sub3A_142, %max3A_144 : vector<16xf32>
    %sub3A_146 = arith.subf %get3A_141, %get3A_137 : vector<16xf32>
    %max3A_147 = arith.constant 0.000000e+00 : f32
    %max3A_148 = vector.broadcast %max3A_147 : f32 to vector<16xf32>
    %max3A_149 = arith.maximumf %sub3A_146, %max3A_148 : vector<16xf32>
    %mul3A_150 = arith.mulf %max3A_145, %max3A_149 : vector<16xf32>
    %swap3A_151 = arith.constant 64 : index
    %swap3A_152 = tpu.vector_load %arg21[%swap3A_151] {strides = array<i32>} : memref<128xf32, #tpu.memory_space<vmem>>, vector<16xf32>,
    tpu.vector_store %arg21[%swap3A_151], %mul3A_150 {strides = array<i32>} : memref<128xf32, #tpu.memory_space<vmem>>, vector<16xf32>,
    %get3A_153 = arith.constant 80 : index
    %get3A_154 = tpu.vector_load %arg17[%get3A_153] {strides = array<i32>} : memref<128xf32, #tpu.memory_space<vmem>>, vector<16xf32>,
    %get3A_155 = arith.constant 80 : index
    %get3A_156 = tpu.vector_load %arg18[%get3A_155] {strides = array<i32>} : memref<128xf32, #tpu.memory_space<vmem>>, vector<16xf32>,
    %get3A_157 = arith.constant 80 : index
    %get3A_158 = tpu.vector_load %arg19[%get3A_157] {strides = array<i32>} : memref<128xf32, #tpu.memory_space<vmem>>, vector<16xf32>,
    %get3A_159 = arith.constant 80 : index
    %get3A_160 = tpu.vector_load %arg20[%get3A_159] {strides = array<i32>} : memref<128xf32, #tpu.memory_space<vmem>>, vector<16xf32>,
    %sub3A_161 = arith.subf %get3A_158, %get3A_154 : vector<16xf32>
    %max3A_162 = arith.constant 0.000000e+00 : f32
    %max3A_163 = vector.broadcast %max3A_162 : f32 to vector<16xf32>
    %max3A_164 = arith.maximumf %sub3A_161, %max3A_163 : vector<16xf32>
    %sub3A_165 = arith.subf %get3A_160, %get3A_156 : vector<16xf32>
    %max3A_166 = arith.constant 0.000000e+00 : f32
    %max3A_167 = vector.broadcast %max3A_166 : f32 to vector<16xf32>
    %max3A_168 = arith.maximumf %sub3A_165, %max3A_167 : vector<16xf32>
    %mul3A_169 = arith.mulf %max3A_164, %max3A_168 : vector<16xf32>
    %swap3A_170 = arith.constant 80 : index
    %swap3A_171 = tpu.vector_load %arg21[%swap3A_170] {strides = array<i32>} : memref<128xf32, #tpu.memory_space<vmem>>, vector<16xf32>,
    tpu.vector_store %arg21[%swap3A_170], %mul3A_169 {strides = array<i32>} : memref<128xf32, #tpu.memory_space<vmem>>, vector<16xf32>,
    %get3A_172 = arith.constant 96 : index
    %get3A_173 = tpu.vector_load %arg17[%get3A_172] {strides = array<i32>} : memref<128xf32, #tpu.memory_space<vmem>>, vector<16xf32>,
    %get3A_174 = arith.constant 96 : index
    %get3A_175 = tpu.vector_load %arg18[%get3A_174] {strides = array<i32>} : memref<128xf32, #tpu.memory_space<vmem>>, vector<16xf32>,
    %get3A_176 = arith.constant 96 : index
    %get3A_177 = tpu.vector_load %arg19[%get3A_176] {strides = array<i32>} : memref<128xf32, #tpu.memory_space<vmem>>, vector<16xf32>,
    %get3A_178 = arith.constant 96 : index
    %get3A_179 = tpu.vector_load %arg20[%get3A_178] {strides = array<i32>} : memref<128xf32, #tpu.memory_space<vmem>>, vector<16xf32>,
    %sub3A_180 = arith.subf %get3A_177, %get3A_173 : vector<16xf32>
    %max3A_181 = arith.constant 0.000000e+00 : f32
    %max3A_182 = vector.broadcast %max3A_181 : f32 to vector<16xf32>
    %max3A_183 = arith.maximumf %sub3A_180, %max3A_182 : vector<16xf32>
    %sub3A_184 = arith.subf %get3A_179, %get3A_175 : vector<16xf32>
    %max3A_185 = arith.constant 0.000000e+00 : f32
    %max3A_186 = vector.broadcast %max3A_185 : f32 to vector<16xf32>
    %max3A_187 = arith.maximumf %sub3A_184, %max3A_186 : vector<16xf32>
    %mul3A_188 = arith.mulf %max3A_183, %max3A_187 : vector<16xf32>
    %swap3A_189 = arith.constant 96 : index
    %swap3A_190 = tpu.vector_load %arg21[%swap3A_189] {strides = array<i32>} : memref<128xf32, #tpu.memory_space<vmem>>, vector<16xf32>,
    tpu.vector_store %arg21[%swap3A_189], %mul3A_188 {strides = array<i32>} : memref<128xf32, #tpu.memory_space<vmem>>, vector<16xf32>,
    %get3A_191 = arith.constant 112 : index
    %get3A_192 = tpu.vector_load %arg17[%get3A_191] {strides = array<i32>} : memref<128xf32, #tpu.memory_space<vmem>>, vector<16xf32>,
    %get3A_193 = arith.constant 112 : index
    %get3A_194 = tpu.vector_load %arg18[%get3A_193] {strides = array<i32>} : memref<128xf32, #tpu.memory_space<vmem>>, vector<16xf32>,
    %get3A_195 = arith.constant 112 : index
    %get3A_196 = tpu.vector_load %arg19[%get3A_195] {strides = array<i32>} : memref<128xf32, #tpu.memory_space<vmem>>, vector<16xf32>,
    %get3A_197 = arith.constant 112 : index
    %get3A_198 = tpu.vector_load %arg20[%get3A_197] {strides = array<i32>} : memref<128xf32, #tpu.memory_space<vmem>>, vector<16xf32>,
    %sub3A_199 = arith.subf %get3A_196, %get3A_192 : vector<16xf32>
    %max3A_200 = arith.constant 0.000000e+00 : f32
    %max3A_201 = vector.broadcast %max3A_200 : f32 to vector<16xf32>
    %max3A_202 = arith.maximumf %sub3A_199, %max3A_201 : vector<16xf32>
    %sub3A_203 = arith.subf %get3A_198, %get3A_194 : vector<16xf32>
    %max3A_204 = arith.constant 0.000000e+00 : f32
    %max3A_205 = vector.broadcast %max3A_204 : f32 to vector<16xf32>
    %max3A_206 = arith.maximumf %sub3A_203, %max3A_205 : vector<16xf32>
    %mul3A_207 = arith.mulf %max3A_202, %max3A_206 : vector<16xf32>
    %swap3A_208 = arith.constant 112 : index
    %swap3A_209 = tpu.vector_load %arg21[%swap3A_208] {strides = array<i32>} : memref<128xf32, #tpu.memory_space<vmem>>, vector<16xf32>,
    tpu.vector_store %arg21[%swap3A_208], %mul3A_207 {strides = array<i32>} : memref<128xf32, #tpu.memory_space<vmem>>, vector<16xf32>,
    %iota3A = tpu.iota {dimensions = array<i32: 0>} : vector<16xi32>
    %scan3A = arith.constant 0.000000e+00 : f32
    %scan3A_210 = arith.constant 0 : i32
    %scan3A_211 = arith.constant 8 : i32
    %scan3A_212 = arith.addi %scan3A_210, %scan3A_211 : i32
    %scan3A_213 = arith.constant 1 : i32
    scf.for %scan3A_254 = %scan3A_210 to %scan3A_212 step %scan3A_213  : i32 {
      %mul3A_255 = arith.constant 80 : i32
      %mul3A_256 = arith.muli %scan3A_254, %mul3A_255 : i32
      %add3A_257 = arith.constant 0 : i32
      %add3A_258 = arith.addi %mul3A_256, %add3A_257 : i32
      %add3A_259 = arith.constant 16 : i32
      %add3A_260 = arith.addi %mul3A_256, %add3A_259 : i32
      %add3A_261 = arith.constant 32 : i32
      %add3A_262 = arith.addi %mul3A_256, %add3A_261 : i32
      %add3A_263 = arith.constant 48 : i32
      %add3A_264 = arith.addi %mul3A_256, %add3A_263 : i32
      %add3A_265 = arith.constant 64 : i32
      %add3A_266 = arith.addi %mul3A_256, %add3A_265 : i32
      %get3A_267 = arith.index_cast %add3A_258 : i32 to index
      %get3A_268 = tpu.vector_load %arg13[%get3A_267] {strides = array<i32>} : memref<640xf32, #tpu.memory_space<vmem>>, vector<16xf32>,
      %get3A_269 = arith.index_cast %add3A_260 : i32 to index
      %get3A_270 = tpu.vector_load %arg13[%get3A_269] {strides = array<i32>} : memref<640xf32, #tpu.memory_space<vmem>>, vector<16xf32>,
      %get3A_271 = arith.index_cast %add3A_262 : i32 to index
      %get3A_272 = tpu.vector_load %arg13[%get3A_271] {strides = array<i32>} : memref<640xf32, #tpu.memory_space<vmem>>, vector<16xf32>,
      %get3A_273 = arith.index_cast %add3A_264 : i32 to index
      %get3A_274 = tpu.vector_load %arg13[%get3A_273] {strides = array<i32>} : memref<640xf32, #tpu.memory_space<vmem>>, vector<16xf32>,
      %get3A_275 = arith.index_cast %add3A_266 : i32 to index
      %get3A_276 = tpu.vector_load %arg13[%get3A_275] {strides = array<i32>} : memref<640xf32, #tpu.memory_space<vmem>>, vector<16xf32>,
      %get3A_277 = arith.index_cast %add3A_258 : i32 to index
      %get3A_278 = tpu.vector_load %arg14[%get3A_277] {strides = array<i32>} : memref<640xf32, #tpu.memory_space<vmem>>, vector<16xf32>,
      %get3A_279 = arith.index_cast %add3A_260 : i32 to index
      %get3A_280 = tpu.vector_load %arg14[%get3A_279] {strides = array<i32>} : memref<640xf32, #tpu.memory_space<vmem>>, vector<16xf32>,
      %get3A_281 = arith.index_cast %add3A_262 : i32 to index
      %get3A_282 = tpu.vector_load %arg14[%get3A_281] {strides = array<i32>} : memref<640xf32, #tpu.memory_space<vmem>>, vector<16xf32>,
      %get3A_283 = arith.index_cast %add3A_264 : i32 to index
      %get3A_284 = tpu.vector_load %arg14[%get3A_283] {strides = array<i32>} : memref<640xf32, #tpu.memory_space<vmem>>, vector<16xf32>,
      %get3A_285 = arith.index_cast %add3A_266 : i32 to index
      %get3A_286 = tpu.vector_load %arg14[%get3A_285] {strides = array<i32>} : memref<640xf32, #tpu.memory_space<vmem>>, vector<16xf32>,
      %get3A_287 = arith.index_cast %add3A_258 : i32 to index
      %get3A_288 = tpu.vector_load %arg15[%get3A_287] {strides = array<i32>} : memref<640xf32, #tpu.memory_space<vmem>>, vector<16xf32>,
      %get3A_289 = arith.index_cast %add3A_260 : i32 to index
      %get3A_290 = tpu.vector_load %arg15[%get3A_289] {strides = array<i32>} : memref<640xf32, #tpu.memory_space<vmem>>, vector<16xf32>,
      %get3A_291 = arith.index_cast %add3A_262 : i32 to index
      %get3A_292 = tpu.vector_load %arg15[%get3A_291] {strides = array<i32>} : memref<640xf32, #tpu.memory_space<vmem>>, vector<16xf32>,
      %get3A_293 = arith.index_cast %add3A_264 : i32 to index
      %get3A_294 = tpu.vector_load %arg15[%get3A_293] {strides = array<i32>} : memref<640xf32, #tpu.memory_space<vmem>>, vector<16xf32>,
      %get3A_295 = arith.index_cast %add3A_266 : i32 to index
      %get3A_296 = tpu.vector_load %arg15[%get3A_295] {strides = array<i32>} : memref<640xf32, #tpu.memory_space<vmem>>, vector<16xf32>,
      %get3A_297 = arith.index_cast %add3A_258 : i32 to index
      %get3A_298 = tpu.vector_load %arg16[%get3A_297] {strides = array<i32>} : memref<640xf32, #tpu.memory_space<vmem>>, vector<16xf32>,
      %get3A_299 = arith.index_cast %add3A_260 : i32 to index
      %get3A_300 = tpu.vector_load %arg16[%get3A_299] {strides = array<i32>} : memref<640xf32, #tpu.memory_space<vmem>>, vector<16xf32>,
      %get3A_301 = arith.index_cast %add3A_262 : i32 to index
      %get3A_302 = tpu.vector_load %arg16[%get3A_301] {strides = array<i32>} : memref<640xf32, #tpu.memory_space<vmem>>, vector<16xf32>,
      %get3A_303 = arith.index_cast %add3A_264 : i32 to index
      %get3A_304 = tpu.vector_load %arg16[%get3A_303] {strides = array<i32>} : memref<640xf32, #tpu.memory_space<vmem>>, vector<16xf32>,
      %get3A_305 = arith.index_cast %add3A_266 : i32 to index
      %get3A_306 = tpu.vector_load %arg16[%get3A_305] {strides = array<i32>} : memref<640xf32, #tpu.memory_space<vmem>>, vector<16xf32>,
      %sub3A_307 = arith.subf %get3A_288, %get3A_268 : vector<16xf32>
      %max3A_308 = vector.broadcast %scan3A : f32 to vector<16xf32>
      %max3A_309 = arith.maximumf %sub3A_307, %max3A_308 : vector<16xf32>
      %sub3A_310 = arith.subf %get3A_298, %get3A_278 : vector<16xf32>
      %max3A_311 = vector.broadcast %scan3A : f32 to vector<16xf32>
      %max3A_312 = arith.maximumf %sub3A_310, %max3A_311 : vector<16xf32>
      %mul3A_313 = arith.mulf %max3A_309, %max3A_312 : vector<16xf32>
      %sub3A_314 = arith.subf %get3A_290, %get3A_270 : vector<16xf32>
      %max3A_315 = vector.broadcast %scan3A : f32 to vector<16xf32>
      %max3A_316 = arith.maximumf %sub3A_314, %max3A_315 : vector<16xf32>
      %sub3A_317 = arith.subf %get3A_300, %get3A_280 : vector<16xf32>
      %max3A_318 = vector.broadcast %scan3A : f32 to vector<16xf32>
      %max3A_319 = arith.maximumf %sub3A_317, %max3A_318 : vector<16xf32>
      %mul3A_320 = arith.mulf %max3A_316, %max3A_319 : vector<16xf32>
      %sub3A_321 = arith.subf %get3A_292, %get3A_272 : vector<16xf32>
      %max3A_322 = vector.broadcast %scan3A : f32 to vector<16xf32>
      %max3A_323 = arith.maximumf %sub3A_321, %max3A_322 : vector<16xf32>
      %sub3A_324 = arith.subf %get3A_302, %get3A_282 : vector<16xf32>
      %max3A_325 = vector.broadcast %scan3A : f32 to vector<16xf32>
      %max3A_326 = arith.maximumf %sub3A_324, %max3A_325 : vector<16xf32>
      %mul3A_327 = arith.mulf %max3A_323, %max3A_326 : vector<16xf32>
      %sub3A_328 = arith.subf %get3A_294, %get3A_274 : vector<16xf32>
      %max3A_329 = vector.broadcast %scan3A : f32 to vector<16xf32>
      %max3A_330 = arith.maximumf %sub3A_328, %max3A_329 : vector<16xf32>
      %sub3A_331 = arith.subf %get3A_304, %get3A_284 : vector<16xf32>
      %max3A_332 = vector.broadcast %scan3A : f32 to vector<16xf32>
      %max3A_333 = arith.maximumf %sub3A_331, %max3A_332 : vector<16xf32>
      %mul3A_334 = arith.mulf %max3A_330, %max3A_333 : vector<16xf32>
      %sub3A_335 = arith.subf %get3A_296, %get3A_276 : vector<16xf32>
      %max3A_336 = vector.broadcast %scan3A : f32 to vector<16xf32>
      %max3A_337 = arith.maximumf %sub3A_335, %max3A_336 : vector<16xf32>
      %sub3A_338 = arith.subf %get3A_306, %get3A_286 : vector<16xf32>
      %max3A_339 = vector.broadcast %scan3A : f32 to vector<16xf32>
      %max3A_340 = arith.maximumf %sub3A_338, %max3A_339 : vector<16xf32>
      %mul3A_341 = arith.mulf %max3A_337, %max3A_340 : vector<16xf32>
      %broadcast_in_dim3A = arith.constant 0.000000e+00 : f32
      %broadcast_in_dim3A_342 = vector.broadcast %broadcast_in_dim3A : f32 to vector<16xf32>
      %broadcast_in_dim3A_343 = arith.constant 1.000000e+00 : f32
      %broadcast_in_dim3A_344 = vector.broadcast %broadcast_in_dim3A_343 : f32 to vector<16xf32>
      %broadcast_in_dim3A_345 = arith.constant 0 : i32
      %broadcast_in_dim3A_346 = vector.broadcast %broadcast_in_dim3A_345 : i32 to vector<16xi32>
      %scan3A_347 = arith.constant 0 : i32
      %scan3A_348 = arith.constant 64 : i32
      %scan3A_349 = arith.addi %scan3A_347, %scan3A_348 : i32
      %scan3A_350 = arith.constant 1 : i32
      %scan3A_351:15 = scf.for %scan3A_555 = %scan3A_347 to %scan3A_349 step %scan3A_350 iter_args(%scan3A_556 = %broadcast_in_dim3A_342, %scan3A_557 = %broadcast_in_dim3A_344, %scan3A_558 = %broadcast_in_dim3A_346, %scan3A_559 = %broadcast_in_dim3A_342, %scan3A_560 = %broadcast_in_dim3A_344, %scan3A_561 = %broadcast_in_dim3A_346, %scan3A_562 = %broadcast_in_dim3A_342, %scan3A_563 = %broadcast_in_dim3A_344, %scan3A_564 = %broadcast_in_dim3A_346, %scan3A_565 = %broadcast_in_dim3A_342, %scan3A_566 = %broadcast_in_dim3A_344, %scan3A_567 = %broadcast_in_dim3A_346, %scan3A_568 = %broadcast_in_dim3A_342, %scan3A_569 = %broadcast_in_dim3A_344, %scan3A_570 = %broadcast_in_dim3A_346) -> (vector<16xf32>, vector<16xf32>, vector<16xi32>, vector<16xf32>, vector<16xf32>, vector<16xi32>, vector<16xf32>, vector<16xf32>, vector<16xi32>, vector<16xf32>, vector<16xf32>, vector<16xi32>, vector<16xf32>, vector<16xf32>, vector<16xi32>)  : i32 {
        %mul3A_571 = arith.constant 2 : i32
        %mul3A_572 = arith.muli %mul3A_571, %scan3A_555 : i32
        %add3A_573 = arith.constant 0 : i32
        %add3A_574 = arith.addi %mul3A_572, %add3A_573 : i32
        %broadcast_in_dim3A_575 = vector.broadcast %add3A_574 : i32 to vector<16xi32>
        %gather3A_576 = tpu.vector_load_idx %arg17[%broadcast_in_dim3A_575] : memref<128xf32, #tpu.memory_space<vmem>>[vector<16xi32>], vector<16xf32>,
        %gather3A_577 = tpu.vector_load_idx %arg18[%broadcast_in_dim3A_575] : memref<128xf32, #tpu.memory_space<vmem>>[vector<16xi32>], vector<16xf32>,
        %gather3A_578 = tpu.vector_load_idx %arg19[%broadcast_in_dim3A_575] : memref<128xf32, #tpu.memory_space<vmem>>[vector<16xi32>], vector<16xf32>,
        %gather3A_579 = tpu.vector_load_idx %arg20[%broadcast_in_dim3A_575] : memref<128xf32, #tpu.memory_space<vmem>>[vector<16xi32>], vector<16xf32>,
        %gather3A_580 = tpu.vector_load_idx %arg21[%broadcast_in_dim3A_575] : memref<128xf32, #tpu.memory_space<vmem>>[vector<16xi32>], vector<16xf32>,
        %min3A = arith.minimumf %get3A_288, %gather3A_578 : vector<16xf32>
        %max3A_581 = arith.maximumf %get3A_268, %gather3A_576 : vector<16xf32>
        %sub3A_582 = arith.subf %min3A, %max3A_581 : vector<16xf32>
        %max3A_583 = vector.broadcast %scan3A : f32 to vector<16xf32>
        %max3A_584 = arith.maximumf %sub3A_582, %max3A_583 : vector<16xf32>
        %min3A_585 = arith.minimumf %get3A_298, %gather3A_579 : vector<16xf32>
        %max3A_586 = arith.maximumf %get3A_278, %gather3A_577 : vector<16xf32>
        %sub3A_587 = arith.subf %min3A_585, %max3A_586 : vector<16xf32>
        %mul3A_588 = arith.mulf %max3A_584, %sub3A_587 : vector<16xf32>
        %add3A_589 = arith.addf %mul3A_313, %gather3A_580 : vector<16xf32>
        %mul3A_590 = arith.mulf %mul3A_588, %scan3A_557 : vector<16xf32>
        %mul3A_591 = arith.mulf %scan3A_556, %add3A_589 : vector<16xf32>
        %gt3A = arith.cmpf ogt, %mul3A_590, %mul3A_591 : vector<16xf32>
        %select_n3A_592 = arith.select %gt3A, %mul3A_588, %scan3A_556 : vector<16xi1>, vector<16xf32>
        %select_n3A_593 = arith.select %gt3A, %add3A_589, %scan3A_557 : vector<16xi1>, vector<16xf32>
        %select_n3A_594 = arith.select %gt3A, %broadcast_in_dim3A_575, %scan3A_558 : vector<16xi1>, vector<16xi32>
        %min3A_595 = arith.minimumf %get3A_290, %gather3A_578 : vector<16xf32>
        %max3A_596 = arith.maximumf %get3A_270, %gather3A_576 : vector<16xf32>
        %sub3A_597 = arith.subf %min3A_595, %max3A_596 : vector<16xf32>
        %max3A_598 = vector.broadcast %scan3A : f32 to vector<16xf32>
        %max3A_599 = arith.maximumf %sub3A_597, %max3A_598 : vector<16xf32>
        %min3A_600 = arith.minimumf %get3A_300, %gather3A_579 : vector<16xf32>
        %max3A_601 = arith.maximumf %get3A_280, %gather3A_577 : vector<16xf32>
        %sub3A_602 = arith.subf %min3A_600, %max3A_601 : vector<16xf32>
        %mul3A_603 = arith.mulf %max3A_599, %sub3A_602 : vector<16xf32>
        %add3A_604 = arith.addf %mul3A_320, %gather3A_580 : vector<16xf32>
        %mul3A_605 = arith.mulf %mul3A_603, %scan3A_560 : vector<16xf32>
        %mul3A_606 = arith.mulf %scan3A_559, %add3A_604 : vector<16xf32>
        %gt3A_607 = arith.cmpf ogt, %mul3A_605, %mul3A_606 : vector<16xf32>
        %select_n3A_608 = arith.select %gt3A_607, %mul3A_603, %scan3A_559 : vector<16xi1>, vector<16xf32>
        %select_n3A_609 = arith.select %gt3A_607, %add3A_604, %scan3A_560 : vector<16xi1>, vector<16xf32>
        %select_n3A_610 = arith.select %gt3A_607, %broadcast_in_dim3A_575, %scan3A_561 : vector<16xi1>, vector<16xi32>
        %min3A_611 = arith.minimumf %get3A_292, %gather3A_578 : vector<16xf32>
        %max3A_612 = arith.maximumf %get3A_272, %gather3A_576 : vector<16xf32>
        %sub3A_613 = arith.subf %min3A_611, %max3A_612 : vector<16xf32>
        %max3A_614 = vector.broadcast %scan3A : f32 to vector<16xf32>
        %max3A_615 = arith.maximumf %sub3A_613, %max3A_614 : vector<16xf32>
        %min3A_616 = arith.minimumf %get3A_302, %gather3A_579 : vector<16xf32>
        %max3A_617 = arith.maximumf %get3A_282, %gather3A_577 : vector<16xf32>
        %sub3A_618 = arith.subf %min3A_616, %max3A_617 : vector<16xf32>
        %mul3A_619 = arith.mulf %max3A_615, %sub3A_618 : vector<16xf32>
        %add3A_620 = arith.addf %mul3A_327, %gather3A_580 : vector<16xf32>
        %mul3A_621 = arith.mulf %mul3A_619, %scan3A_563 : vector<16xf32>
        %mul3A_622 = arith.mulf %scan3A_562, %add3A_620 : vector<16xf32>
        %gt3A_623 = arith.cmpf ogt, %mul3A_621, %mul3A_622 : vector<16xf32>
        %select_n3A_624 = arith.select %gt3A_623, %mul3A_619, %scan3A_562 : vector<16xi1>, vector<16xf32>
        %select_n3A_625 = arith.select %gt3A_623, %add3A_620, %scan3A_563 : vector<16xi1>, vector<16xf32>
        %select_n3A_626 = arith.select %gt3A_623, %broadcast_in_dim3A_575, %scan3A_564 : vector<16xi1>, vector<16xi32>
        %min3A_627 = arith.minimumf %get3A_294, %gather3A_578 : vector<16xf32>
        %max3A_628 = arith.maximumf %get3A_274, %gather3A_576 : vector<16xf32>
        %sub3A_629 = arith.subf %min3A_627, %max3A_628 : vector<16xf32>
        %max3A_630 = vector.broadcast %scan3A : f32 to vector<16xf32>
        %max3A_631 = arith.maximumf %sub3A_629, %max3A_630 : vector<16xf32>
        %min3A_632 = arith.minimumf %get3A_304, %gather3A_579 : vector<16xf32>
        %max3A_633 = arith.maximumf %get3A_284, %gather3A_577 : vector<16xf32>
        %sub3A_634 = arith.subf %min3A_632, %max3A_633 : vector<16xf32>
        %mul3A_635 = arith.mulf %max3A_631, %sub3A_634 : vector<16xf32>
        %add3A_636 = arith.addf %mul3A_334, %gather3A_580 : vector<16xf32>
        %mul3A_637 = arith.mulf %mul3A_635, %scan3A_566 : vector<16xf32>
        %mul3A_638 = arith.mulf %scan3A_565, %add3A_636 : vector<16xf32>
        %gt3A_639 = arith.cmpf ogt, %mul3A_637, %mul3A_638 : vector<16xf32>
        %select_n3A_640 = arith.select %gt3A_639, %mul3A_635, %scan3A_565 : vector<16xi1>, vector<16xf32>
        %select_n3A_641 = arith.select %gt3A_639, %add3A_636, %scan3A_566 : vector<16xi1>, vector<16xf32>
        %select_n3A_642 = arith.select %gt3A_639, %broadcast_in_dim3A_575, %scan3A_567 : vector<16xi1>, vector<16xi32>
        %min3A_643 = arith.minimumf %get3A_296, %gather3A_578 : vector<16xf32>
        %max3A_644 = arith.maximumf %get3A_276, %gather3A_576 : vector<16xf32>
        %sub3A_645 = arith.subf %min3A_643, %max3A_644 : vector<16xf32>
        %max3A_646 = vector.broadcast %scan3A : f32 to vector<16xf32>
        %max3A_647 = arith.maximumf %sub3A_645, %max3A_646 : vector<16xf32>
        %min3A_648 = arith.minimumf %get3A_306, %gather3A_579 : vector<16xf32>
        %max3A_649 = arith.maximumf %get3A_286, %gather3A_577 : vector<16xf32>
        %sub3A_650 = arith.subf %min3A_648, %max3A_649 : vector<16xf32>
        %mul3A_651 = arith.mulf %max3A_647, %sub3A_650 : vector<16xf32>
        %add3A_652 = arith.addf %mul3A_341, %gather3A_580 : vector<16xf32>
        %mul3A_653 = arith.mulf %mul3A_651, %scan3A_569 : vector<16xf32>
        %mul3A_654 = arith.mulf %scan3A_568, %add3A_652 : vector<16xf32>
        %gt3A_655 = arith.cmpf ogt, %mul3A_653, %mul3A_654 : vector<16xf32>
        %select_n3A_656 = arith.select %gt3A_655, %mul3A_651, %scan3A_568 : vector<16xi1>, vector<16xf32>
        %select_n3A_657 = arith.select %gt3A_655, %add3A_652, %scan3A_569 : vector<16xi1>, vector<16xf32>
        %select_n3A_658 = arith.select %gt3A_655, %broadcast_in_dim3A_575, %scan3A_570 : vector<16xi1>, vector<16xi32>
        %mul3A_659 = arith.constant 2 : i32
        %mul3A_660 = arith.muli %mul3A_659, %scan3A_555 : i32
        %add3A_661 = arith.constant 1 : i32
        %add3A_662 = arith.addi %mul3A_660, %add3A_661 : i32
        %broadcast_in_dim3A_663 = vector.broadcast %add3A_662 : i32 to vector<16xi32>
        %gather3A_664 = tpu.vector_load_idx %arg17[%broadcast_in_dim3A_663] : memref<128xf32, #tpu.memory_space<vmem>>[vector<16xi32>], vector<16xf32>,
        %gather3A_665 = tpu.vector_load_idx %arg18[%broadcast_in_dim3A_663] : memref<128xf32, #tpu.memory_space<vmem>>[vector<16xi32>], vector<16xf32>,
        %gather3A_666 = tpu.vector_load_idx %arg19[%broadcast_in_dim3A_663] : memref<128xf32, #tpu.memory_space<vmem>>[vector<16xi32>], vector<16xf32>,
        %gather3A_667 = tpu.vector_load_idx %arg20[%broadcast_in_dim3A_663] : memref<128xf32, #tpu.memory_space<vmem>>[vector<16xi32>], vector<16xf32>,
        %gather3A_668 = tpu.vector_load_idx %arg21[%broadcast_in_dim3A_663] : memref<128xf32, #tpu.memory_space<vmem>>[vector<16xi32>], vector<16xf32>,
        %min3A_669 = arith.minimumf %get3A_288, %gather3A_666 : vector<16xf32>
        %max3A_670 = arith.maximumf %get3A_268, %gather3A_664 : vector<16xf32>
        %sub3A_671 = arith.subf %min3A_669, %max3A_670 : vector<16xf32>
        %max3A_672 = vector.broadcast %scan3A : f32 to vector<16xf32>
        %max3A_673 = arith.maximumf %sub3A_671, %max3A_672 : vector<16xf32>
        %min3A_674 = arith.minimumf %get3A_298, %gather3A_667 : vector<16xf32>
        %max3A_675 = arith.maximumf %get3A_278, %gather3A_665 : vector<16xf32>
        %sub3A_676 = arith.subf %min3A_674, %max3A_675 : vector<16xf32>
        %mul3A_677 = arith.mulf %max3A_673, %sub3A_676 : vector<16xf32>
        %add3A_678 = arith.addf %mul3A_313, %gather3A_668 : vector<16xf32>
        %mul3A_679 = arith.mulf %mul3A_677, %select_n3A_593 : vector<16xf32>
        %mul3A_680 = arith.mulf %select_n3A_592, %add3A_678 : vector<16xf32>
        %gt3A_681 = arith.cmpf ogt, %mul3A_679, %mul3A_680 : vector<16xf32>
        %select_n3A_682 = arith.select %gt3A_681, %mul3A_677, %select_n3A_592 : vector<16xi1>, vector<16xf32>
        %select_n3A_683 = arith.select %gt3A_681, %add3A_678, %select_n3A_593 : vector<16xi1>, vector<16xf32>
        %select_n3A_684 = arith.select %gt3A_681, %broadcast_in_dim3A_663, %select_n3A_594 : vector<16xi1>, vector<16xi32>
        %min3A_685 = arith.minimumf %get3A_290, %gather3A_666 : vector<16xf32>
        %max3A_686 = arith.maximumf %get3A_270, %gather3A_664 : vector<16xf32>
        %sub3A_687 = arith.subf %min3A_685, %max3A_686 : vector<16xf32>
        %max3A_688 = vector.broadcast %scan3A : f32 to vector<16xf32>
        %max3A_689 = arith.maximumf %sub3A_687, %max3A_688 : vector<16xf32>
        %min3A_690 = arith.minimumf %get3A_300, %gather3A_667 : vector<16xf32>
        %max3A_691 = arith.maximumf %get3A_280, %gather3A_665 : vector<16xf32>
        %sub3A_692 = arith.subf %min3A_690, %max3A_691 : vector<16xf32>
        %mul3A_693 = arith.mulf %max3A_689, %sub3A_692 : vector<16xf32>
        %add3A_694 = arith.addf %mul3A_320, %gather3A_668 : vector<16xf32>
        %mul3A_695 = arith.mulf %mul3A_693, %select_n3A_609 : vector<16xf32>
        %mul3A_696 = arith.mulf %select_n3A_608, %add3A_694 : vector<16xf32>
        %gt3A_697 = arith.cmpf ogt, %mul3A_695, %mul3A_696 : vector<16xf32>
        %select_n3A_698 = arith.select %gt3A_697, %mul3A_693, %select_n3A_608 : vector<16xi1>, vector<16xf32>
        %select_n3A_699 = arith.select %gt3A_697, %add3A_694, %select_n3A_609 : vector<16xi1>, vector<16xf32>
        %select_n3A_700 = arith.select %gt3A_697, %broadcast_in_dim3A_663, %select_n3A_610 : vector<16xi1>, vector<16xi32>
        %min3A_701 = arith.minimumf %get3A_292, %gather3A_666 : vector<16xf32>
        %max3A_702 = arith.maximumf %get3A_272, %gather3A_664 : vector<16xf32>
        %sub3A_703 = arith.subf %min3A_701, %max3A_702 : vector<16xf32>
        %max3A_704 = vector.broadcast %scan3A : f32 to vector<16xf32>
        %max3A_705 = arith.maximumf %sub3A_703, %max3A_704 : vector<16xf32>
        %min3A_706 = arith.minimumf %get3A_302, %gather3A_667 : vector<16xf32>
        %max3A_707 = arith.maximumf %get3A_282, %gather3A_665 : vector<16xf32>
        %sub3A_708 = arith.subf %min3A_706, %max3A_707 : vector<16xf32>
        %mul3A_709 = arith.mulf %max3A_705, %sub3A_708 : vector<16xf32>
        %add3A_710 = arith.addf %mul3A_327, %gather3A_668 : vector<16xf32>
        %mul3A_711 = arith.mulf %mul3A_709, %select_n3A_625 : vector<16xf32>
        %mul3A_712 = arith.mulf %select_n3A_624, %add3A_710 : vector<16xf32>
        %gt3A_713 = arith.cmpf ogt, %mul3A_711, %mul3A_712 : vector<16xf32>
        %select_n3A_714 = arith.select %gt3A_713, %mul3A_709, %select_n3A_624 : vector<16xi1>, vector<16xf32>
        %select_n3A_715 = arith.select %gt3A_713, %add3A_710, %select_n3A_625 : vector<16xi1>, vector<16xf32>
        %select_n3A_716 = arith.select %gt3A_713, %broadcast_in_dim3A_663, %select_n3A_626 : vector<16xi1>, vector<16xi32>
        %min3A_717 = arith.minimumf %get3A_294, %gather3A_666 : vector<16xf32>
        %max3A_718 = arith.maximumf %get3A_274, %gather3A_664 : vector<16xf32>
        %sub3A_719 = arith.subf %min3A_717, %max3A_718 : vector<16xf32>
        %max3A_720 = vector.broadcast %scan3A : f32 to vector<16xf32>
        %max3A_721 = arith.maximumf %sub3A_719, %max3A_720 : vector<16xf32>
        %min3A_722 = arith.minimumf %get3A_304, %gather3A_667 : vector<16xf32>
        %max3A_723 = arith.maximumf %get3A_284, %gather3A_665 : vector<16xf32>
        %sub3A_724 = arith.subf %min3A_722, %max3A_723 : vector<16xf32>
        %mul3A_725 = arith.mulf %max3A_721, %sub3A_724 : vector<16xf32>
        %add3A_726 = arith.addf %mul3A_334, %gather3A_668 : vector<16xf32>
        %mul3A_727 = arith.mulf %mul3A_725, %select_n3A_641 : vector<16xf32>
        %mul3A_728 = arith.mulf %select_n3A_640, %add3A_726 : vector<16xf32>
        %gt3A_729 = arith.cmpf ogt, %mul3A_727, %mul3A_728 : vector<16xf32>
        %select_n3A_730 = arith.select %gt3A_729, %mul3A_725, %select_n3A_640 : vector<16xi1>, vector<16xf32>
        %select_n3A_731 = arith.select %gt3A_729, %add3A_726, %select_n3A_641 : vector<16xi1>, vector<16xf32>
        %select_n3A_732 = arith.select %gt3A_729, %broadcast_in_dim3A_663, %select_n3A_642 : vector<16xi1>, vector<16xi32>
        %min3A_733 = arith.minimumf %get3A_296, %gather3A_666 : vector<16xf32>
        %max3A_734 = arith.maximumf %get3A_276, %gather3A_664 : vector<16xf32>
        %sub3A_735 = arith.subf %min3A_733, %max3A_734 : vector<16xf32>
        %max3A_736 = vector.broadcast %scan3A : f32 to vector<16xf32>
        %max3A_737 = arith.maximumf %sub3A_735, %max3A_736 : vector<16xf32>
        %min3A_738 = arith.minimumf %get3A_306, %gather3A_667 : vector<16xf32>
        %max3A_739 = arith.maximumf %get3A_286, %gather3A_665 : vector<16xf32>
        %sub3A_740 = arith.subf %min3A_738, %max3A_739 : vector<16xf32>
        %mul3A_741 = arith.mulf %max3A_737, %sub3A_740 : vector<16xf32>
        %add3A_742 = arith.addf %mul3A_341, %gather3A_668 : vector<16xf32>
        %mul3A_743 = arith.mulf %mul3A_741, %select_n3A_657 : vector<16xf32>
        %mul3A_744 = arith.mulf %select_n3A_656, %add3A_742 : vector<16xf32>
        %gt3A_745 = arith.cmpf ogt, %mul3A_743, %mul3A_744 : vector<16xf32>
        %select_n3A_746 = arith.select %gt3A_745, %mul3A_741, %select_n3A_656 : vector<16xi1>, vector<16xf32>
        %select_n3A_747 = arith.select %gt3A_745, %add3A_742, %select_n3A_657 : vector<16xi1>, vector<16xf32>
        %select_n3A_748 = arith.select %gt3A_745, %broadcast_in_dim3A_663, %select_n3A_658 : vector<16xi1>, vector<16xi32>
        scf.yield %select_n3A_682, %select_n3A_683, %select_n3A_684, %select_n3A_698, %select_n3A_699, %select_n3A_700, %select_n3A_714, %select_n3A_715, %select_n3A_716, %select_n3A_730, %select_n3A_731, %select_n3A_732, %select_n3A_746, %select_n3A_747, %select_n3A_748 : vector<16xf32>, vector<16xf32>, vector<16xi32>, vector<16xf32>, vector<16xf32>, vector<16xi32>, vector<16xf32>, vector<16xf32>, vector<16xi32>, vector<16xf32>, vector<16xf32>, vector<16xi32>, vector<16xf32>, vector<16xf32>, vector<16xi32>
      }
      %scan3A_352 = arith.constant 64 : i32
      %sub3A_353 = arith.subf %scan3A_351#1, %scan3A_351#0 : vector<16xf32>
      %max3A_354 = arith.constant 1.000000e-10 : f32
      %max3A_355 = vector.broadcast %max3A_354 : f32 to vector<16xf32>
      %max3A_356 = arith.maximumf %sub3A_353, %max3A_355 : vector<16xf32>
      %div3A = arith.divf %scan3A_351#0, %max3A_356 : vector<16xf32>
      %ge3A = arith.constant 5.000000e-01 : f32
      %ge3A_357 = vector.broadcast %ge3A : f32 to vector<16xf32>
      %ge3A_358 = arith.cmpf oge, %div3A, %ge3A_357 : vector<16xf32>
      %lt3A_359 = arith.constant 4.000000e-01 : f32
      %lt3A_360 = vector.broadcast %lt3A_359 : f32 to vector<16xf32>
      %lt3A_361 = arith.cmpf olt, %div3A, %lt3A_360 : vector<16xf32>
      %gather3A = tpu.vector_load_idx %arg22[%scan3A_351#2] : memref<128xi32, #tpu.memory_space<vmem>>[vector<16xi32>], vector<16xi32>,
      %broadcast_in_dim3A_362 = arith.constant 0 : i32
      %broadcast_in_dim3A_363 = vector.broadcast %broadcast_in_dim3A_362 : i32 to vector<16xi32>
      %broadcast_in_dim3A_364 = arith.constant -1 : i32
      %broadcast_in_dim3A_365 = vector.broadcast %broadcast_in_dim3A_364 : i32 to vector<16xi32>
      %select_n3A = arith.select %lt3A_361, %broadcast_in_dim3A_363, %broadcast_in_dim3A_365 : vector<16xi1>, vector<16xi32>
      %select_n3A_366 = arith.select %ge3A_358, %gather3A, %select_n3A : vector<16xi1>, vector<16xi32>
      %swap3A_367 = arith.index_cast %add3A_258 : i32 to index
      %swap3A_368 = tpu.vector_load %arg23[%swap3A_367] {strides = array<i32>} : memref<640xi32, #tpu.memory_space<vmem>>, vector<16xi32>,
      tpu.vector_store %arg23[%swap3A_367], %select_n3A_366 {strides = array<i32>} : memref<640xi32, #tpu.memory_space<vmem>>, vector<16xi32>,
      %broadcast_in_dim3A_369 = arith.constant -1.000000e+00 : f32
      %broadcast_in_dim3A_370 = vector.broadcast %broadcast_in_dim3A_369 : f32 to vector<16xf32>
      %add3A_371 = vector.broadcast %add3A_258 : i32 to vector<16xi32>
      %add3A_372 = arith.addi %iota3A, %add3A_371 : vector<16xi32>
      %gather3A_373 = tpu.vector_load_idx %arg17[%scan3A_351#2] : memref<128xf32, #tpu.memory_space<vmem>>[vector<16xi32>], vector<16xf32>,
      %select_n3A_374 = arith.select %ge3A_358, %gather3A_373, %broadcast_in_dim3A_370 : vector<16xi1>, vector<16xf32>
      %broadcast_in_dim3A_375 = arith.constant 0 : i32
      %broadcast_in_dim3A_376 = vector.broadcast %broadcast_in_dim3A_375 : i32 to vector<16xi32>
      tpu.vector_store_idx %arg24[%add3A_372, %broadcast_in_dim3A_376], %select_n3A_374 : memref<640x4xf32, #tpu.memory_space<vmem>>[vector<16xi32>, vector<16xi32>], vector<16xf32>,
      %gather3A_377 = tpu.vector_load_idx %arg18[%scan3A_351#2] : memref<128xf32, #tpu.memory_space<vmem>>[vector<16xi32>], vector<16xf32>,
      %select_n3A_378 = arith.select %ge3A_358, %gather3A_377, %broadcast_in_dim3A_370 : vector<16xi1>, vector<16xf32>
      %broadcast_in_dim3A_379 = arith.constant 1 : i32
      %broadcast_in_dim3A_380 = vector.broadcast %broadcast_in_dim3A_379 : i32 to vector<16xi32>
      tpu.vector_store_idx %arg24[%add3A_372, %broadcast_in_dim3A_380], %select_n3A_378 : memref<640x4xf32, #tpu.memory_space<vmem>>[vector<16xi32>, vector<16xi32>], vector<16xf32>,
      %gather3A_381 = tpu.vector_load_idx %arg19[%scan3A_351#2] : memref<128xf32, #tpu.memory_space<vmem>>[vector<16xi32>], vector<16xf32>,
      %select_n3A_382 = arith.select %ge3A_358, %gather3A_381, %broadcast_in_dim3A_370 : vector<16xi1>, vector<16xf32>
      %broadcast_in_dim3A_383 = arith.constant 2 : i32
      %broadcast_in_dim3A_384 = vector.broadcast %broadcast_in_dim3A_383 : i32 to vector<16xi32>
      tpu.vector_store_idx %arg24[%add3A_372, %broadcast_in_dim3A_384], %select_n3A_382 : memref<640x4xf32, #tpu.memory_space<vmem>>[vector<16xi32>, vector<16xi32>], vector<16xf32>,
      %gather3A_385 = tpu.vector_load_idx %arg20[%scan3A_351#2] : memref<128xf32, #tpu.memory_space<vmem>>[vector<16xi32>], vector<16xf32>,
      %select_n3A_386 = arith.select %ge3A_358, %gather3A_385, %broadcast_in_dim3A_370 : vector<16xi1>, vector<16xf32>
      %broadcast_in_dim3A_387 = arith.constant 3 : i32
      %broadcast_in_dim3A_388 = vector.broadcast %broadcast_in_dim3A_387 : i32 to vector<16xi32>
      tpu.vector_store_idx %arg24[%add3A_372, %broadcast_in_dim3A_388], %select_n3A_386 : memref<640x4xf32, #tpu.memory_space<vmem>>[vector<16xi32>, vector<16xi32>], vector<16xf32>,
      %sub3A_389 = arith.subf %scan3A_351#4, %scan3A_351#3 : vector<16xf32>
      %max3A_390 = arith.constant 1.000000e-10 : f32
      %max3A_391 = vector.broadcast %max3A_390 : f32 to vector<16xf32>
      %max3A_392 = arith.maximumf %sub3A_389, %max3A_391 : vector<16xf32>
      %div3A_393 = arith.divf %scan3A_351#3, %max3A_392 : vector<16xf32>
      %ge3A_394 = arith.constant 5.000000e-01 : f32
      %ge3A_395 = vector.broadcast %ge3A_394 : f32 to vector<16xf32>
      %ge3A_396 = arith.cmpf oge, %div3A_393, %ge3A_395 : vector<16xf32>
      %lt3A_397 = arith.constant 4.000000e-01 : f32
      %lt3A_398 = vector.broadcast %lt3A_397 : f32 to vector<16xf32>
      %lt3A_399 = arith.cmpf olt, %div3A_393, %lt3A_398 : vector<16xf32>
      %gather3A_400 = tpu.vector_load_idx %arg22[%scan3A_351#5] : memref<128xi32, #tpu.memory_space<vmem>>[vector<16xi32>], vector<16xi32>,
      %broadcast_in_dim3A_401 = arith.constant 0 : i32
      %broadcast_in_dim3A_402 = vector.broadcast %broadcast_in_dim3A_401 : i32 to vector<16xi32>
      %broadcast_in_dim3A_403 = arith.constant -1 : i32
      %broadcast_in_dim3A_404 = vector.broadcast %broadcast_in_dim3A_403 : i32 to vector<16xi32>
      %select_n3A_405 = arith.select %lt3A_399, %broadcast_in_dim3A_402, %broadcast_in_dim3A_404 : vector<16xi1>, vector<16xi32>
      %select_n3A_406 = arith.select %ge3A_396, %gather3A_400, %select_n3A_405 : vector<16xi1>, vector<16xi32>
      %swap3A_407 = arith.index_cast %add3A_260 : i32 to index
      %swap3A_408 = tpu.vector_load %arg23[%swap3A_407] {strides = array<i32>} : memref<640xi32, #tpu.memory_space<vmem>>, vector<16xi32>,
      tpu.vector_store %arg23[%swap3A_407], %select_n3A_406 {strides = array<i32>} : memref<640xi32, #tpu.memory_space<vmem>>, vector<16xi32>,
      %broadcast_in_dim3A_409 = arith.constant -1.000000e+00 : f32
      %broadcast_in_dim3A_410 = vector.broadcast %broadcast_in_dim3A_409 : f32 to vector<16xf32>
      %add3A_411 = vector.broadcast %add3A_260 : i32 to vector<16xi32>
      %add3A_412 = arith.addi %iota3A, %add3A_411 : vector<16xi32>
      %gather3A_413 = tpu.vector_load_idx %arg17[%scan3A_351#5] : memref<128xf32, #tpu.memory_space<vmem>>[vector<16xi32>], vector<16xf32>,
      %select_n3A_414 = arith.select %ge3A_396, %gather3A_413, %broadcast_in_dim3A_410 : vector<16xi1>, vector<16xf32>
      %broadcast_in_dim3A_415 = arith.constant 0 : i32
      %broadcast_in_dim3A_416 = vector.broadcast %broadcast_in_dim3A_415 : i32 to vector<16xi32>
      tpu.vector_store_idx %arg24[%add3A_412, %broadcast_in_dim3A_416], %select_n3A_414 : memref<640x4xf32, #tpu.memory_space<vmem>>[vector<16xi32>, vector<16xi32>], vector<16xf32>,
      %gather3A_417 = tpu.vector_load_idx %arg18[%scan3A_351#5] : memref<128xf32, #tpu.memory_space<vmem>>[vector<16xi32>], vector<16xf32>,
      %select_n3A_418 = arith.select %ge3A_396, %gather3A_417, %broadcast_in_dim3A_410 : vector<16xi1>, vector<16xf32>
      %broadcast_in_dim3A_419 = arith.constant 1 : i32
      %broadcast_in_dim3A_420 = vector.broadcast %broadcast_in_dim3A_419 : i32 to vector<16xi32>
      tpu.vector_store_idx %arg24[%add3A_412, %broadcast_in_dim3A_420], %select_n3A_418 : memref<640x4xf32, #tpu.memory_space<vmem>>[vector<16xi32>, vector<16xi32>], vector<16xf32>,
      %gather3A_421 = tpu.vector_load_idx %arg19[%scan3A_351#5] : memref<128xf32, #tpu.memory_space<vmem>>[vector<16xi32>], vector<16xf32>,
      %select_n3A_422 = arith.select %ge3A_396, %gather3A_421, %broadcast_in_dim3A_410 : vector<16xi1>, vector<16xf32>
      %broadcast_in_dim3A_423 = arith.constant 2 : i32
      %broadcast_in_dim3A_424 = vector.broadcast %broadcast_in_dim3A_423 : i32 to vector<16xi32>
      tpu.vector_store_idx %arg24[%add3A_412, %broadcast_in_dim3A_424], %select_n3A_422 : memref<640x4xf32, #tpu.memory_space<vmem>>[vector<16xi32>, vector<16xi32>], vector<16xf32>,
      %gather3A_425 = tpu.vector_load_idx %arg20[%scan3A_351#5] : memref<128xf32, #tpu.memory_space<vmem>>[vector<16xi32>], vector<16xf32>,
      %select_n3A_426 = arith.select %ge3A_396, %gather3A_425, %broadcast_in_dim3A_410 : vector<16xi1>, vector<16xf32>
      %broadcast_in_dim3A_427 = arith.constant 3 : i32
      %broadcast_in_dim3A_428 = vector.broadcast %broadcast_in_dim3A_427 : i32 to vector<16xi32>
      tpu.vector_store_idx %arg24[%add3A_412, %broadcast_in_dim3A_428], %select_n3A_426 : memref<640x4xf32, #tpu.memory_space<vmem>>[vector<16xi32>, vector<16xi32>], vector<16xf32>,
      %sub3A_429 = arith.subf %scan3A_351#7, %scan3A_351#6 : vector<16xf32>
      %max3A_430 = arith.constant 1.000000e-10 : f32
      %max3A_431 = vector.broadcast %max3A_430 : f32 to vector<16xf32>
      %max3A_432 = arith.maximumf %sub3A_429, %max3A_431 : vector<16xf32>
      %div3A_433 = arith.divf %scan3A_351#6, %max3A_432 : vector<16xf32>
      %ge3A_434 = arith.constant 5.000000e-01 : f32
      %ge3A_435 = vector.broadcast %ge3A_434 : f32 to vector<16xf32>
      %ge3A_436 = arith.cmpf oge, %div3A_433, %ge3A_435 : vector<16xf32>
      %lt3A_437 = arith.constant 4.000000e-01 : f32
      %lt3A_438 = vector.broadcast %lt3A_437 : f32 to vector<16xf32>
      %lt3A_439 = arith.cmpf olt, %div3A_433, %lt3A_438 : vector<16xf32>
      %gather3A_440 = tpu.vector_load_idx %arg22[%scan3A_351#8] : memref<128xi32, #tpu.memory_space<vmem>>[vector<16xi32>], vector<16xi32>,
      %broadcast_in_dim3A_441 = arith.constant 0 : i32
      %broadcast_in_dim3A_442 = vector.broadcast %broadcast_in_dim3A_441 : i32 to vector<16xi32>
      %broadcast_in_dim3A_443 = arith.constant -1 : i32
      %broadcast_in_dim3A_444 = vector.broadcast %broadcast_in_dim3A_443 : i32 to vector<16xi32>
      %select_n3A_445 = arith.select %lt3A_439, %broadcast_in_dim3A_442, %broadcast_in_dim3A_444 : vector<16xi1>, vector<16xi32>
      %select_n3A_446 = arith.select %ge3A_436, %gather3A_440, %select_n3A_445 : vector<16xi1>, vector<16xi32>
      %swap3A_447 = arith.index_cast %add3A_262 : i32 to index
      %swap3A_448 = tpu.vector_load %arg23[%swap3A_447] {strides = array<i32>} : memref<640xi32, #tpu.memory_space<vmem>>, vector<16xi32>,
      tpu.vector_store %arg23[%swap3A_447], %select_n3A_446 {strides = array<i32>} : memref<640xi32, #tpu.memory_space<vmem>>, vector<16xi32>,
      %broadcast_in_dim3A_449 = arith.constant -1.000000e+00 : f32
      %broadcast_in_dim3A_450 = vector.broadcast %broadcast_in_dim3A_449 : f32 to vector<16xf32>
      %add3A_451 = vector.broadcast %add3A_262 : i32 to vector<16xi32>
      %add3A_452 = arith.addi %iota3A, %add3A_451 : vector<16xi32>
      %gather3A_453 = tpu.vector_load_idx %arg17[%scan3A_351#8] : memref<128xf32, #tpu.memory_space<vmem>>[vector<16xi32>], vector<16xf32>,
      %select_n3A_454 = arith.select %ge3A_436, %gather3A_453, %broadcast_in_dim3A_450 : vector<16xi1>, vector<16xf32>
      %broadcast_in_dim3A_455 = arith.constant 0 : i32
      %broadcast_in_dim3A_456 = vector.broadcast %broadcast_in_dim3A_455 : i32 to vector<16xi32>
      tpu.vector_store_idx %arg24[%add3A_452, %broadcast_in_dim3A_456], %select_n3A_454 : memref<640x4xf32, #tpu.memory_space<vmem>>[vector<16xi32>, vector<16xi32>], vector<16xf32>,
      %gather3A_457 = tpu.vector_load_idx %arg18[%scan3A_351#8] : memref<128xf32, #tpu.memory_space<vmem>>[vector<16xi32>], vector<16xf32>,
      %select_n3A_458 = arith.select %ge3A_436, %gather3A_457, %broadcast_in_dim3A_450 : vector<16xi1>, vector<16xf32>
      %broadcast_in_dim3A_459 = arith.constant 1 : i32
      %broadcast_in_dim3A_460 = vector.broadcast %broadcast_in_dim3A_459 : i32 to vector<16xi32>
      tpu.vector_store_idx %arg24[%add3A_452, %broadcast_in_dim3A_460], %select_n3A_458 : memref<640x4xf32, #tpu.memory_space<vmem>>[vector<16xi32>, vector<16xi32>], vector<16xf32>,
      %gather3A_461 = tpu.vector_load_idx %arg19[%scan3A_351#8] : memref<128xf32, #tpu.memory_space<vmem>>[vector<16xi32>], vector<16xf32>,
      %select_n3A_462 = arith.select %ge3A_436, %gather3A_461, %broadcast_in_dim3A_450 : vector<16xi1>, vector<16xf32>
      %broadcast_in_dim3A_463 = arith.constant 2 : i32
      %broadcast_in_dim3A_464 = vector.broadcast %broadcast_in_dim3A_463 : i32 to vector<16xi32>
      tpu.vector_store_idx %arg24[%add3A_452, %broadcast_in_dim3A_464], %select_n3A_462 : memref<640x4xf32, #tpu.memory_space<vmem>>[vector<16xi32>, vector<16xi32>], vector<16xf32>,
      %gather3A_465 = tpu.vector_load_idx %arg20[%scan3A_351#8] : memref<128xf32, #tpu.memory_space<vmem>>[vector<16xi32>], vector<16xf32>,
      %select_n3A_466 = arith.select %ge3A_436, %gather3A_465, %broadcast_in_dim3A_450 : vector<16xi1>, vector<16xf32>
      %broadcast_in_dim3A_467 = arith.constant 3 : i32
      %broadcast_in_dim3A_468 = vector.broadcast %broadcast_in_dim3A_467 : i32 to vector<16xi32>
      tpu.vector_store_idx %arg24[%add3A_452, %broadcast_in_dim3A_468], %select_n3A_466 : memref<640x4xf32, #tpu.memory_space<vmem>>[vector<16xi32>, vector<16xi32>], vector<16xf32>,
      %sub3A_469 = arith.subf %scan3A_351#10, %scan3A_351#9 : vector<16xf32>
      %max3A_470 = arith.constant 1.000000e-10 : f32
      %max3A_471 = vector.broadcast %max3A_470 : f32 to vector<16xf32>
      %max3A_472 = arith.maximumf %sub3A_469, %max3A_471 : vector<16xf32>
      %div3A_473 = arith.divf %scan3A_351#9, %max3A_472 : vector<16xf32>
      %ge3A_474 = arith.constant 5.000000e-01 : f32
      %ge3A_475 = vector.broadcast %ge3A_474 : f32 to vector<16xf32>
      %ge3A_476 = arith.cmpf oge, %div3A_473, %ge3A_475 : vector<16xf32>
      %lt3A_477 = arith.constant 4.000000e-01 : f32
      %lt3A_478 = vector.broadcast %lt3A_477 : f32 to vector<16xf32>
      %lt3A_479 = arith.cmpf olt, %div3A_473, %lt3A_478 : vector<16xf32>
      %gather3A_480 = tpu.vector_load_idx %arg22[%scan3A_351#11] : memref<128xi32, #tpu.memory_space<vmem>>[vector<16xi32>], vector<16xi32>,
      %broadcast_in_dim3A_481 = arith.constant 0 : i32
      %broadcast_in_dim3A_482 = vector.broadcast %broadcast_in_dim3A_481 : i32 to vector<16xi32>
      %broadcast_in_dim3A_483 = arith.constant -1 : i32
      %broadcast_in_dim3A_484 = vector.broadcast %broadcast_in_dim3A_483 : i32 to vector<16xi32>
      %select_n3A_485 = arith.select %lt3A_479, %broadcast_in_dim3A_482, %broadcast_in_dim3A_484 : vector<16xi1>, vector<16xi32>
      %select_n3A_486 = arith.select %ge3A_476, %gather3A_480, %select_n3A_485 : vector<16xi1>, vector<16xi32>
      %swap3A_487 = arith.index_cast %add3A_264 : i32 to index
      %swap3A_488 = tpu.vector_load %arg23[%swap3A_487] {strides = array<i32>} : memref<640xi32, #tpu.memory_space<vmem>>, vector<16xi32>,
      tpu.vector_store %arg23[%swap3A_487], %select_n3A_486 {strides = array<i32>} : memref<640xi32, #tpu.memory_space<vmem>>, vector<16xi32>,
      %broadcast_in_dim3A_489 = arith.constant -1.000000e+00 : f32
      %broadcast_in_dim3A_490 = vector.broadcast %broadcast_in_dim3A_489 : f32 to vector<16xf32>
      %add3A_491 = vector.broadcast %add3A_264 : i32 to vector<16xi32>
      %add3A_492 = arith.addi %iota3A, %add3A_491 : vector<16xi32>
      %gather3A_493 = tpu.vector_load_idx %arg17[%scan3A_351#11] : memref<128xf32, #tpu.memory_space<vmem>>[vector<16xi32>], vector<16xf32>,
      %select_n3A_494 = arith.select %ge3A_476, %gather3A_493, %broadcast_in_dim3A_490 : vector<16xi1>, vector<16xf32>
      %broadcast_in_dim3A_495 = arith.constant 0 : i32
      %broadcast_in_dim3A_496 = vector.broadcast %broadcast_in_dim3A_495 : i32 to vector<16xi32>
      tpu.vector_store_idx %arg24[%add3A_492, %broadcast_in_dim3A_496], %select_n3A_494 : memref<640x4xf32, #tpu.memory_space<vmem>>[vector<16xi32>, vector<16xi32>], vector<16xf32>,
      %gather3A_497 = tpu.vector_load_idx %arg18[%scan3A_351#11] : memref<128xf32, #tpu.memory_space<vmem>>[vector<16xi32>], vector<16xf32>,
      %select_n3A_498 = arith.select %ge3A_476, %gather3A_497, %broadcast_in_dim3A_490 : vector<16xi1>, vector<16xf32>
      %broadcast_in_dim3A_499 = arith.constant 1 : i32
      %broadcast_in_dim3A_500 = vector.broadcast %broadcast_in_dim3A_499 : i32 to vector<16xi32>
      tpu.vector_store_idx %arg24[%add3A_492, %broadcast_in_dim3A_500], %select_n3A_498 : memref<640x4xf32, #tpu.memory_space<vmem>>[vector<16xi32>, vector<16xi32>], vector<16xf32>,
      %gather3A_501 = tpu.vector_load_idx %arg19[%scan3A_351#11] : memref<128xf32, #tpu.memory_space<vmem>>[vector<16xi32>], vector<16xf32>,
      %select_n3A_502 = arith.select %ge3A_476, %gather3A_501, %broadcast_in_dim3A_490 : vector<16xi1>, vector<16xf32>
      %broadcast_in_dim3A_503 = arith.constant 2 : i32
      %broadcast_in_dim3A_504 = vector.broadcast %broadcast_in_dim3A_503 : i32 to vector<16xi32>
      tpu.vector_store_idx %arg24[%add3A_492, %broadcast_in_dim3A_504], %select_n3A_502 : memref<640x4xf32, #tpu.memory_space<vmem>>[vector<16xi32>, vector<16xi32>], vector<16xf32>,
      %gather3A_505 = tpu.vector_load_idx %arg20[%scan3A_351#11] : memref<128xf32, #tpu.memory_space<vmem>>[vector<16xi32>], vector<16xf32>,
      %select_n3A_506 = arith.select %ge3A_476, %gather3A_505, %broadcast_in_dim3A_490 : vector<16xi1>, vector<16xf32>
      %broadcast_in_dim3A_507 = arith.constant 3 : i32
      %broadcast_in_dim3A_508 = vector.broadcast %broadcast_in_dim3A_507 : i32 to vector<16xi32>
      tpu.vector_store_idx %arg24[%add3A_492, %broadcast_in_dim3A_508], %select_n3A_506 : memref<640x4xf32, #tpu.memory_space<vmem>>[vector<16xi32>, vector<16xi32>], vector<16xf32>,
      %sub3A_509 = arith.subf %scan3A_351#13, %scan3A_351#12 : vector<16xf32>
      %max3A_510 = arith.constant 1.000000e-10 : f32
      %max3A_511 = vector.broadcast %max3A_510 : f32 to vector<16xf32>
      %max3A_512 = arith.maximumf %sub3A_509, %max3A_511 : vector<16xf32>
      %div3A_513 = arith.divf %scan3A_351#12, %max3A_512 : vector<16xf32>
      %ge3A_514 = arith.constant 5.000000e-01 : f32
      %ge3A_515 = vector.broadcast %ge3A_514 : f32 to vector<16xf32>
      %ge3A_516 = arith.cmpf oge, %div3A_513, %ge3A_515 : vector<16xf32>
      %lt3A_517 = arith.constant 4.000000e-01 : f32
      %lt3A_518 = vector.broadcast %lt3A_517 : f32 to vector<16xf32>
      %lt3A_519 = arith.cmpf olt, %div3A_513, %lt3A_518 : vector<16xf32>
      %gather3A_520 = tpu.vector_load_idx %arg22[%scan3A_351#14] : memref<128xi32, #tpu.memory_space<vmem>>[vector<16xi32>], vector<16xi32>,
      %broadcast_in_dim3A_521 = arith.constant 0 : i32
      %broadcast_in_dim3A_522 = vector.broadcast %broadcast_in_dim3A_521 : i32 to vector<16xi32>
      %broadcast_in_dim3A_523 = arith.constant -1 : i32
      %broadcast_in_dim3A_524 = vector.broadcast %broadcast_in_dim3A_523 : i32 to vector<16xi32>
      %select_n3A_525 = arith.select %lt3A_519, %broadcast_in_dim3A_522, %broadcast_in_dim3A_524 : vector<16xi1>, vector<16xi32>
      %select_n3A_526 = arith.select %ge3A_516, %gather3A_520, %select_n3A_525 : vector<16xi1>, vector<16xi32>
      %swap3A_527 = arith.index_cast %add3A_266 : i32 to index
      %swap3A_528 = tpu.vector_load %arg23[%swap3A_527] {strides = array<i32>} : memref<640xi32, #tpu.memory_space<vmem>>, vector<16xi32>,
      tpu.vector_store %arg23[%swap3A_527], %select_n3A_526 {strides = array<i32>} : memref<640xi32, #tpu.memory_space<vmem>>, vector<16xi32>,
      %broadcast_in_dim3A_529 = arith.constant -1.000000e+00 : f32
      %broadcast_in_dim3A_530 = vector.broadcast %broadcast_in_dim3A_529 : f32 to vector<16xf32>
      %add3A_531 = vector.broadcast %add3A_266 : i32 to vector<16xi32>
      %add3A_532 = arith.addi %iota3A, %add3A_531 : vector<16xi32>
      %gather3A_533 = tpu.vector_load_idx %arg17[%scan3A_351#14] : memref<128xf32, #tpu.memory_space<vmem>>[vector<16xi32>], vector<16xf32>,
      %select_n3A_534 = arith.select %ge3A_516, %gather3A_533, %broadcast_in_dim3A_530 : vector<16xi1>, vector<16xf32>
      %broadcast_in_dim3A_535 = arith.constant 0 : i32
      %broadcast_in_dim3A_536 = vector.broadcast %broadcast_in_dim3A_535 : i32 to vector<16xi32>
      tpu.vector_store_idx %arg24[%add3A_532, %broadcast_in_dim3A_536], %select_n3A_534 : memref<640x4xf32, #tpu.memory_space<vmem>>[vector<16xi32>, vector<16xi32>], vector<16xf32>,
      %gather3A_537 = tpu.vector_load_idx %arg18[%scan3A_351#14] : memref<128xf32, #tpu.memory_space<vmem>>[vector<16xi32>], vector<16xf32>,
      %select_n3A_538 = arith.select %ge3A_516, %gather3A_537, %broadcast_in_dim3A_530 : vector<16xi1>, vector<16xf32>
      %broadcast_in_dim3A_539 = arith.constant 1 : i32
      %broadcast_in_dim3A_540 = vector.broadcast %broadcast_in_dim3A_539 : i32 to vector<16xi32>
      tpu.vector_store_idx %arg24[%add3A_532, %broadcast_in_dim3A_540], %select_n3A_538 : memref<640x4xf32, #tpu.memory_space<vmem>>[vector<16xi32>, vector<16xi32>], vector<16xf32>,
      %gather3A_541 = tpu.vector_load_idx %arg19[%scan3A_351#14] : memref<128xf32, #tpu.memory_space<vmem>>[vector<16xi32>], vector<16xf32>,
      %select_n3A_542 = arith.select %ge3A_516, %gather3A_541, %broadcast_in_dim3A_530 : vector<16xi1>, vector<16xf32>
      %broadcast_in_dim3A_543 = arith.constant 2 : i32
      %broadcast_in_dim3A_544 = vector.broadcast %broadcast_in_dim3A_543 : i32 to vector<16xi32>
      tpu.vector_store_idx %arg24[%add3A_532, %broadcast_in_dim3A_544], %select_n3A_542 : memref<640x4xf32, #tpu.memory_space<vmem>>[vector<16xi32>, vector<16xi32>], vector<16xf32>,
      %gather3A_545 = tpu.vector_load_idx %arg20[%scan3A_351#14] : memref<128xf32, #tpu.memory_space<vmem>>[vector<16xi32>], vector<16xf32>,
      %select_n3A_546 = arith.select %ge3A_516, %gather3A_545, %broadcast_in_dim3A_530 : vector<16xi1>, vector<16xf32>
      %broadcast_in_dim3A_547 = arith.constant 3 : i32
      %broadcast_in_dim3A_548 = vector.broadcast %broadcast_in_dim3A_547 : i32 to vector<16xi32>
      tpu.vector_store_idx %arg24[%add3A_532, %broadcast_in_dim3A_548], %select_n3A_546 : memref<640x4xf32, #tpu.memory_space<vmem>>[vector<16xi32>, vector<16xi32>], vector<16xf32>,
      %lt3A_549 = arith.constant 2 : i32
      %lt3A_550 = arith.cmpi slt, %scan3A_254, %lt3A_549 : i32
      %or3A_551 = arith.ori %lt3A_3, %lt3A_550 : i1
      %convert_element_type3A_552 = arith.extui %or3A_551 : i1 to i32
      %cond3A_553 = arith.constant 0 : i32
      %cond3A_554 = arith.cmpi ne, %convert_element_type3A_552, %cond3A_553 : i32
      scf.if %cond3A_554 {
        %add3A_555 = arith.addi %mul3A_2, %mul3A_256 : i32
        %dma_start3A_556 = tpu.memref_slice %arg23[%mul3A_256] : memref<640xi32, #tpu.memory_space<vmem>> -> memref<80xi32, #tpu.memory_space<vmem>>
        %dma_start3A_557 = tpu.memref_slice %arg11[%add3A_555] : memref<20000xi32, #tpu.memory_space<hbm>> -> memref<80xi32, #tpu.memory_space<hbm>>
        %dma_start3A_558 = tpu.memref_slice %arg11[%add3A_555] : memref<20000xi32, #tpu.memory_space<hbm>> -> memref<80xi32, #tpu.memory_space<hbm>>
        %dma_start3A_559 = tpu.memref_slice %arg23[%mul3A_256] : memref<640xi32, #tpu.memory_space<vmem>> -> memref<80xi32, #tpu.memory_space<vmem>>
        tpu.enqueue_dma source(%dma_start3A_559 : memref<80xi32, #tpu.memory_space<vmem>>) target(%dma_start3A_558 : memref<80xi32, #tpu.memory_space<hbm>>) target_semaphore(%arg25 : memref<!tpu.dma_semaphore, #tpu.memory_space<semaphore_mem>>)
        %add3A_560 = arith.addi %mul3A_2, %mul3A_256 : i32
        %dma_start3A_561 = arith.constant 0 : i32
        %dma_start3A_562 = tpu.memref_slice %arg24[%mul3A_256, %dma_start3A_561] : memref<640x4xf32, #tpu.memory_space<vmem>> -> memref<80x4xf32, #tpu.memory_space<vmem>>
        %dma_start3A_563 = arith.constant 0 : i32
        %dma_start3A_564 = tpu.memref_slice %arg12[%add3A_560, %dma_start3A_563] : memref<20000x4xf32, #tpu.memory_space<hbm>> -> memref<80x4xf32, #tpu.memory_space<hbm>>
        %dma_start3A_565 = arith.constant 0 : i32
        %dma_start3A_566 = tpu.memref_slice %arg12[%add3A_560, %dma_start3A_565] : memref<20000x4xf32, #tpu.memory_space<hbm>> -> memref<80x4xf32, #tpu.memory_space<hbm>>
        %dma_start3A_567 = arith.constant 0 : i32
        %dma_start3A_568 = tpu.memref_slice %arg24[%mul3A_256, %dma_start3A_567] : memref<640x4xf32, #tpu.memory_space<vmem>> -> memref<80x4xf32, #tpu.memory_space<vmem>>
        tpu.enqueue_dma source(%dma_start3A_568 : memref<80x4xf32, #tpu.memory_space<vmem>>) target(%dma_start3A_566 : memref<80x4xf32, #tpu.memory_space<hbm>>) target_semaphore(%arg25 : memref<!tpu.dma_semaphore, #tpu.memory_space<semaphore_mem>>)
      } else {
      }
    }
    %scan3A_214 = arith.constant 8 : i32
    %or3A = arith.constant true
    %or3A_215 = arith.ori %lt3A_3, %or3A : i1
    %convert_element_type3A_216 = arith.extui %or3A_215 : i1 to i32
    %cond3A_217 = arith.constant 0 : i32
    %cond3A_218 = arith.cmpi ne, %convert_element_type3A_216, %cond3A_217 : i32
    scf.if %cond3A_218 {
      %add3A_254 = arith.constant 0 : i32
      %add3A_255 = arith.addi %mul3A_2, %add3A_254 : i32
      %dma_wait3A_256 = arith.constant 0 : i32
      %dma_wait3A_257 = tpu.memref_slice %arg23[%dma_wait3A_256] : memref<640xi32, #tpu.memory_space<vmem>> -> memref<80xi32, #tpu.memory_space<vmem>>
      %dma_wait3A_258 = tpu.memref_slice %arg11[%add3A_255] : memref<20000xi32, #tpu.memory_space<hbm>> -> memref<80xi32, #tpu.memory_space<hbm>>
      %dma_wait3A_259 = tpu.memref_slice %arg11[%add3A_255] : memref<20000xi32, #tpu.memory_space<hbm>> -> memref<80xi32, #tpu.memory_space<hbm>>
      %dma_wait3A_260 = arith.constant 0 : i32
      %dma_wait3A_261 = tpu.memref_slice %arg23[%dma_wait3A_260] : memref<640xi32, #tpu.memory_space<vmem>> -> memref<80xi32, #tpu.memory_space<vmem>>
      tpu.wait_dma2 semaphore(%arg25 : memref<!tpu.dma_semaphore, #tpu.memory_space<semaphore_mem>>) src(%dma_wait3A_261 : memref<80xi32, #tpu.memory_space<vmem>>) dst(%dma_wait3A_259 : memref<80xi32, #tpu.memory_space<hbm>>)
      %add3A_262 = arith.constant 0 : i32
      %add3A_263 = arith.addi %mul3A_2, %add3A_262 : i32
      %dma_wait3A_264 = arith.constant 0 : i32
      %dma_wait3A_265 = arith.constant 0 : i32
      %dma_wait3A_266 = tpu.memref_slice %arg24[%dma_wait3A_264, %dma_wait3A_265] : memref<640x4xf32, #tpu.memory_space<vmem>> -> memref<80x4xf32, #tpu.memory_space<vmem>>
      %dma_wait3A_267 = arith.constant 0 : i32
      %dma_wait3A_268 = tpu.memref_slice %arg12[%add3A_263, %dma_wait3A_267] : memref<20000x4xf32, #tpu.memory_space<hbm>> -> memref<80x4xf32, #tpu.memory_space<hbm>>
      %dma_wait3A_269 = arith.constant 0 : i32
      %dma_wait3A_270 = tpu.memref_slice %arg12[%add3A_263, %dma_wait3A_269] : memref<20000x4xf32, #tpu.memory_space<hbm>> -> memref<80x4xf32, #tpu.memory_space<hbm>>
      %dma_wait3A_271 = arith.constant 0 : i32
      %dma_wait3A_272 = arith.constant 0 : i32
      %dma_wait3A_273 = tpu.memref_slice %arg24[%dma_wait3A_271, %dma_wait3A_272] : memref<640x4xf32, #tpu.memory_space<vmem>> -> memref<80x4xf32, #tpu.memory_space<vmem>>
      tpu.wait_dma2 semaphore(%arg25 : memref<!tpu.dma_semaphore, #tpu.memory_space<semaphore_mem>>) src(%dma_wait3A_273 : memref<80x4xf32, #tpu.memory_space<vmem>>) dst(%dma_wait3A_270 : memref<80x4xf32, #tpu.memory_space<hbm>>)
    } else {
    }
    %or3A_219 = arith.constant true
    %or3A_220 = arith.ori %lt3A_3, %or3A_219 : i1
    %convert_element_type3A_221 = arith.extui %or3A_220 : i1 to i32
    %cond3A_222 = arith.constant 0 : i32
    %cond3A_223 = arith.cmpi ne, %convert_element_type3A_221, %cond3A_222 : i32
    scf.if %cond3A_223 {
      %add3A_254 = arith.constant 80 : i32
      %add3A_255 = arith.addi %mul3A_2, %add3A_254 : i32
      %dma_wait3A_256 = arith.constant 80 : i32
      %dma_wait3A_257 = tpu.memref_slice %arg23[%dma_wait3A_256] : memref<640xi32, #tpu.memory_space<vmem>> -> memref<80xi32, #tpu.memory_space<vmem>>
      %dma_wait3A_258 = tpu.memref_slice %arg11[%add3A_255] : memref<20000xi32, #tpu.memory_space<hbm>> -> memref<80xi32, #tpu.memory_space<hbm>>
      %dma_wait3A_259 = tpu.memref_slice %arg11[%add3A_255] : memref<20000xi32, #tpu.memory_space<hbm>> -> memref<80xi32, #tpu.memory_space<hbm>>
      %dma_wait3A_260 = arith.constant 80 : i32
      %dma_wait3A_261 = tpu.memref_slice %arg23[%dma_wait3A_260] : memref<640xi32, #tpu.memory_space<vmem>> -> memref<80xi32, #tpu.memory_space<vmem>>
      tpu.wait_dma2 semaphore(%arg25 : memref<!tpu.dma_semaphore, #tpu.memory_space<semaphore_mem>>) src(%dma_wait3A_261 : memref<80xi32, #tpu.memory_space<vmem>>) dst(%dma_wait3A_259 : memref<80xi32, #tpu.memory_space<hbm>>)
      %add3A_262 = arith.constant 80 : i32
      %add3A_263 = arith.addi %mul3A_2, %add3A_262 : i32
      %dma_wait3A_264 = arith.constant 80 : i32
      %dma_wait3A_265 = arith.constant 0 : i32
      %dma_wait3A_266 = tpu.memref_slice %arg24[%dma_wait3A_264, %dma_wait3A_265] : memref<640x4xf32, #tpu.memory_space<vmem>> -> memref<80x4xf32, #tpu.memory_space<vmem>>
      %dma_wait3A_267 = arith.constant 0 : i32
      %dma_wait3A_268 = tpu.memref_slice %arg12[%add3A_263, %dma_wait3A_267] : memref<20000x4xf32, #tpu.memory_space<hbm>> -> memref<80x4xf32, #tpu.memory_space<hbm>>
      %dma_wait3A_269 = arith.constant 0 : i32
      %dma_wait3A_270 = tpu.memref_slice %arg12[%add3A_263, %dma_wait3A_269] : memref<20000x4xf32, #tpu.memory_space<hbm>> -> memref<80x4xf32, #tpu.memory_space<hbm>>
      %dma_wait3A_271 = arith.constant 80 : i32
      %dma_wait3A_272 = arith.constant 0 : i32
      %dma_wait3A_273 = tpu.memref_slice %arg24[%dma_wait3A_271, %dma_wait3A_272] : memref<640x4xf32, #tpu.memory_space<vmem>> -> memref<80x4xf32, #tpu.memory_space<vmem>>
      tpu.wait_dma2 semaphore(%arg25 : memref<!tpu.dma_semaphore, #tpu.memory_space<semaphore_mem>>) src(%dma_wait3A_273 : memref<80x4xf32, #tpu.memory_space<vmem>>) dst(%dma_wait3A_270 : memref<80x4xf32, #tpu.memory_space<hbm>>)
    } else {
    }
    %or3A_224 = arith.constant false
    %or3A_225 = arith.ori %lt3A_3, %or3A_224 : i1
    %convert_element_type3A_226 = arith.extui %or3A_225 : i1 to i32
    %cond3A_227 = arith.constant 0 : i32
    %cond3A_228 = arith.cmpi ne, %convert_element_type3A_226, %cond3A_227 : i32
    scf.if %cond3A_228 {
      %add3A_254 = arith.constant 160 : i32
      %add3A_255 = arith.addi %mul3A_2, %add3A_254 : i32
      %dma_wait3A_256 = arith.constant 160 : i32
      %dma_wait3A_257 = tpu.memref_slice %arg23[%dma_wait3A_256] : memref<640xi32, #tpu.memory_space<vmem>> -> memref<80xi32, #tpu.memory_space<vmem>>
      %dma_wait3A_258 = tpu.memref_slice %arg11[%add3A_255] : memref<20000xi32, #tpu.memory_space<hbm>> -> memref<80xi32, #tpu.memory_space<hbm>>
      %dma_wait3A_259 = tpu.memref_slice %arg11[%add3A_255] : memref<20000xi32, #tpu.memory_space<hbm>> -> memref<80xi32, #tpu.memory_space<hbm>>
      %dma_wait3A_260 = arith.constant 160 : i32
      %dma_wait3A_261 = tpu.memref_slice %arg23[%dma_wait3A_260] : memref<640xi32, #tpu.memory_space<vmem>> -> memref<80xi32, #tpu.memory_space<vmem>>
      tpu.wait_dma2 semaphore(%arg25 : memref<!tpu.dma_semaphore, #tpu.memory_space<semaphore_mem>>) src(%dma_wait3A_261 : memref<80xi32, #tpu.memory_space<vmem>>) dst(%dma_wait3A_259 : memref<80xi32, #tpu.memory_space<hbm>>)
      %add3A_262 = arith.constant 160 : i32
      %add3A_263 = arith.addi %mul3A_2, %add3A_262 : i32
      %dma_wait3A_264 = arith.constant 160 : i32
      %dma_wait3A_265 = arith.constant 0 : i32
      %dma_wait3A_266 = tpu.memref_slice %arg24[%dma_wait3A_264, %dma_wait3A_265] : memref<640x4xf32, #tpu.memory_space<vmem>> -> memref<80x4xf32, #tpu.memory_space<vmem>>
      %dma_wait3A_267 = arith.constant 0 : i32
      %dma_wait3A_268 = tpu.memref_slice %arg12[%add3A_263, %dma_wait3A_267] : memref<20000x4xf32, #tpu.memory_space<hbm>> -> memref<80x4xf32, #tpu.memory_space<hbm>>
      %dma_wait3A_269 = arith.constant 0 : i32
      %dma_wait3A_270 = tpu.memref_slice %arg12[%add3A_263, %dma_wait3A_269] : memref<20000x4xf32, #tpu.memory_space<hbm>> -> memref<80x4xf32, #tpu.memory_space<hbm>>
      %dma_wait3A_271 = arith.constant 160 : i32
      %dma_wait3A_272 = arith.constant 0 : i32
      %dma_wait3A_273 = tpu.memref_slice %arg24[%dma_wait3A_271, %dma_wait3A_272] : memref<640x4xf32, #tpu.memory_space<vmem>> -> memref<80x4xf32, #tpu.memory_space<vmem>>
      tpu.wait_dma2 semaphore(%arg25 : memref<!tpu.dma_semaphore, #tpu.memory_space<semaphore_mem>>) src(%dma_wait3A_273 : memref<80x4xf32, #tpu.memory_space<vmem>>) dst(%dma_wait3A_270 : memref<80x4xf32, #tpu.memory_space<hbm>>)
    } else {
    }
    %or3A_229 = arith.constant false
    %or3A_230 = arith.ori %lt3A_3, %or3A_229 : i1
    %convert_element_type3A_231 = arith.extui %or3A_230 : i1 to i32
    %cond3A_232 = arith.constant 0 : i32
    %cond3A_233 = arith.cmpi ne, %convert_element_type3A_231, %cond3A_232 : i32
    scf.if %cond3A_233 {
      %add3A_254 = arith.constant 240 : i32
      %add3A_255 = arith.addi %mul3A_2, %add3A_254 : i32
      %dma_wait3A_256 = arith.constant 240 : i32
      %dma_wait3A_257 = tpu.memref_slice %arg23[%dma_wait3A_256] : memref<640xi32, #tpu.memory_space<vmem>> -> memref<80xi32, #tpu.memory_space<vmem>>
      %dma_wait3A_258 = tpu.memref_slice %arg11[%add3A_255] : memref<20000xi32, #tpu.memory_space<hbm>> -> memref<80xi32, #tpu.memory_space<hbm>>
      %dma_wait3A_259 = tpu.memref_slice %arg11[%add3A_255] : memref<20000xi32, #tpu.memory_space<hbm>> -> memref<80xi32, #tpu.memory_space<hbm>>
      %dma_wait3A_260 = arith.constant 240 : i32
      %dma_wait3A_261 = tpu.memref_slice %arg23[%dma_wait3A_260] : memref<640xi32, #tpu.memory_space<vmem>> -> memref<80xi32, #tpu.memory_space<vmem>>
      tpu.wait_dma2 semaphore(%arg25 : memref<!tpu.dma_semaphore, #tpu.memory_space<semaphore_mem>>) src(%dma_wait3A_261 : memref<80xi32, #tpu.memory_space<vmem>>) dst(%dma_wait3A_259 : memref<80xi32, #tpu.memory_space<hbm>>)
      %add3A_262 = arith.constant 240 : i32
      %add3A_263 = arith.addi %mul3A_2, %add3A_262 : i32
      %dma_wait3A_264 = arith.constant 240 : i32
      %dma_wait3A_265 = arith.constant 0 : i32
      %dma_wait3A_266 = tpu.memref_slice %arg24[%dma_wait3A_264, %dma_wait3A_265] : memref<640x4xf32, #tpu.memory_space<vmem>> -> memref<80x4xf32, #tpu.memory_space<vmem>>
      %dma_wait3A_267 = arith.constant 0 : i32
      %dma_wait3A_268 = tpu.memref_slice %arg12[%add3A_263, %dma_wait3A_267] : memref<20000x4xf32, #tpu.memory_space<hbm>> -> memref<80x4xf32, #tpu.memory_space<hbm>>
      %dma_wait3A_269 = arith.constant 0 : i32
      %dma_wait3A_270 = tpu.memref_slice %arg12[%add3A_263, %dma_wait3A_269] : memref<20000x4xf32, #tpu.memory_space<hbm>> -> memref<80x4xf32, #tpu.memory_space<hbm>>
      %dma_wait3A_271 = arith.constant 240 : i32
      %dma_wait3A_272 = arith.constant 0 : i32
      %dma_wait3A_273 = tpu.memref_slice %arg24[%dma_wait3A_271, %dma_wait3A_272] : memref<640x4xf32, #tpu.memory_space<vmem>> -> memref<80x4xf32, #tpu.memory_space<vmem>>
      tpu.wait_dma2 semaphore(%arg25 : memref<!tpu.dma_semaphore, #tpu.memory_space<semaphore_mem>>) src(%dma_wait3A_273 : memref<80x4xf32, #tpu.memory_space<vmem>>) dst(%dma_wait3A_270 : memref<80x4xf32, #tpu.memory_space<hbm>>)
    } else {
    }
    %or3A_234 = arith.constant false
    %or3A_235 = arith.ori %lt3A_3, %or3A_234 : i1
    %convert_element_type3A_236 = arith.extui %or3A_235 : i1 to i32
    %cond3A_237 = arith.constant 0 : i32
    %cond3A_238 = arith.cmpi ne, %convert_element_type3A_236, %cond3A_237 : i32
    scf.if %cond3A_238 {
      %add3A_254 = arith.constant 320 : i32
      %add3A_255 = arith.addi %mul3A_2, %add3A_254 : i32
      %dma_wait3A_256 = arith.constant 320 : i32
      %dma_wait3A_257 = tpu.memref_slice %arg23[%dma_wait3A_256] : memref<640xi32, #tpu.memory_space<vmem>> -> memref<80xi32, #tpu.memory_space<vmem>>
      %dma_wait3A_258 = tpu.memref_slice %arg11[%add3A_255] : memref<20000xi32, #tpu.memory_space<hbm>> -> memref<80xi32, #tpu.memory_space<hbm>>
      %dma_wait3A_259 = tpu.memref_slice %arg11[%add3A_255] : memref<20000xi32, #tpu.memory_space<hbm>> -> memref<80xi32, #tpu.memory_space<hbm>>
      %dma_wait3A_260 = arith.constant 320 : i32
      %dma_wait3A_261 = tpu.memref_slice %arg23[%dma_wait3A_260] : memref<640xi32, #tpu.memory_space<vmem>> -> memref<80xi32, #tpu.memory_space<vmem>>
      tpu.wait_dma2 semaphore(%arg25 : memref<!tpu.dma_semaphore, #tpu.memory_space<semaphore_mem>>) src(%dma_wait3A_261 : memref<80xi32, #tpu.memory_space<vmem>>) dst(%dma_wait3A_259 : memref<80xi32, #tpu.memory_space<hbm>>)
      %add3A_262 = arith.constant 320 : i32
      %add3A_263 = arith.addi %mul3A_2, %add3A_262 : i32
      %dma_wait3A_264 = arith.constant 320 : i32
      %dma_wait3A_265 = arith.constant 0 : i32
      %dma_wait3A_266 = tpu.memref_slice %arg24[%dma_wait3A_264, %dma_wait3A_265] : memref<640x4xf32, #tpu.memory_space<vmem>> -> memref<80x4xf32, #tpu.memory_space<vmem>>
      %dma_wait3A_267 = arith.constant 0 : i32
      %dma_wait3A_268 = tpu.memref_slice %arg12[%add3A_263, %dma_wait3A_267] : memref<20000x4xf32, #tpu.memory_space<hbm>> -> memref<80x4xf32, #tpu.memory_space<hbm>>
      %dma_wait3A_269 = arith.constant 0 : i32
      %dma_wait3A_270 = tpu.memref_slice %arg12[%add3A_263, %dma_wait3A_269] : memref<20000x4xf32, #tpu.memory_space<hbm>> -> memref<80x4xf32, #tpu.memory_space<hbm>>
      %dma_wait3A_271 = arith.constant 320 : i32
      %dma_wait3A_272 = arith.constant 0 : i32
      %dma_wait3A_273 = tpu.memref_slice %arg24[%dma_wait3A_271, %dma_wait3A_272] : memref<640x4xf32, #tpu.memory_space<vmem>> -> memref<80x4xf32, #tpu.memory_space<vmem>>
      tpu.wait_dma2 semaphore(%arg25 : memref<!tpu.dma_semaphore, #tpu.memory_space<semaphore_mem>>) src(%dma_wait3A_273 : memref<80x4xf32, #tpu.memory_space<vmem>>) dst(%dma_wait3A_270 : memref<80x4xf32, #tpu.memory_space<hbm>>)
    } else {
    }
    %or3A_239 = arith.constant false
    %or3A_240 = arith.ori %lt3A_3, %or3A_239 : i1
    %convert_element_type3A_241 = arith.extui %or3A_240 : i1 to i32
    %cond3A_242 = arith.constant 0 : i32
    %cond3A_243 = arith.cmpi ne, %convert_element_type3A_241, %cond3A_242 : i32
    scf.if %cond3A_243 {
      %add3A_254 = arith.constant 400 : i32
      %add3A_255 = arith.addi %mul3A_2, %add3A_254 : i32
      %dma_wait3A_256 = arith.constant 400 : i32
      %dma_wait3A_257 = tpu.memref_slice %arg23[%dma_wait3A_256] : memref<640xi32, #tpu.memory_space<vmem>> -> memref<80xi32, #tpu.memory_space<vmem>>
      %dma_wait3A_258 = tpu.memref_slice %arg11[%add3A_255] : memref<20000xi32, #tpu.memory_space<hbm>> -> memref<80xi32, #tpu.memory_space<hbm>>
      %dma_wait3A_259 = tpu.memref_slice %arg11[%add3A_255] : memref<20000xi32, #tpu.memory_space<hbm>> -> memref<80xi32, #tpu.memory_space<hbm>>
      %dma_wait3A_260 = arith.constant 400 : i32
      %dma_wait3A_261 = tpu.memref_slice %arg23[%dma_wait3A_260] : memref<640xi32, #tpu.memory_space<vmem>> -> memref<80xi32, #tpu.memory_space<vmem>>
      tpu.wait_dma2 semaphore(%arg25 : memref<!tpu.dma_semaphore, #tpu.memory_space<semaphore_mem>>) src(%dma_wait3A_261 : memref<80xi32, #tpu.memory_space<vmem>>) dst(%dma_wait3A_259 : memref<80xi32, #tpu.memory_space<hbm>>)
      %add3A_262 = arith.constant 400 : i32
      %add3A_263 = arith.addi %mul3A_2, %add3A_262 : i32
      %dma_wait3A_264 = arith.constant 400 : i32
      %dma_wait3A_265 = arith.constant 0 : i32
      %dma_wait3A_266 = tpu.memref_slice %arg24[%dma_wait3A_264, %dma_wait3A_265] : memref<640x4xf32, #tpu.memory_space<vmem>> -> memref<80x4xf32, #tpu.memory_space<vmem>>
      %dma_wait3A_267 = arith.constant 0 : i32
      %dma_wait3A_268 = tpu.memref_slice %arg12[%add3A_263, %dma_wait3A_267] : memref<20000x4xf32, #tpu.memory_space<hbm>> -> memref<80x4xf32, #tpu.memory_space<hbm>>
      %dma_wait3A_269 = arith.constant 0 : i32
      %dma_wait3A_270 = tpu.memref_slice %arg12[%add3A_263, %dma_wait3A_269] : memref<20000x4xf32, #tpu.memory_space<hbm>> -> memref<80x4xf32, #tpu.memory_space<hbm>>
      %dma_wait3A_271 = arith.constant 400 : i32
      %dma_wait3A_272 = arith.constant 0 : i32
      %dma_wait3A_273 = tpu.memref_slice %arg24[%dma_wait3A_271, %dma_wait3A_272] : memref<640x4xf32, #tpu.memory_space<vmem>> -> memref<80x4xf32, #tpu.memory_space<vmem>>
      tpu.wait_dma2 semaphore(%arg25 : memref<!tpu.dma_semaphore, #tpu.memory_space<semaphore_mem>>) src(%dma_wait3A_273 : memref<80x4xf32, #tpu.memory_space<vmem>>) dst(%dma_wait3A_270 : memref<80x4xf32, #tpu.memory_space<hbm>>)
    } else {
    }
    %or3A_244 = arith.constant false
    %or3A_245 = arith.ori %lt3A_3, %or3A_244 : i1
    %convert_element_type3A_246 = arith.extui %or3A_245 : i1 to i32
    %cond3A_247 = arith.constant 0 : i32
    %cond3A_248 = arith.cmpi ne, %convert_element_type3A_246, %cond3A_247 : i32
    scf.if %cond3A_248 {
      %add3A_254 = arith.constant 480 : i32
      %add3A_255 = arith.addi %mul3A_2, %add3A_254 : i32
      %dma_wait3A_256 = arith.constant 480 : i32
      %dma_wait3A_257 = tpu.memref_slice %arg23[%dma_wait3A_256] : memref<640xi32, #tpu.memory_space<vmem>> -> memref<80xi32, #tpu.memory_space<vmem>>
      %dma_wait3A_258 = tpu.memref_slice %arg11[%add3A_255] : memref<20000xi32, #tpu.memory_space<hbm>> -> memref<80xi32, #tpu.memory_space<hbm>>
      %dma_wait3A_259 = tpu.memref_slice %arg11[%add3A_255] : memref<20000xi32, #tpu.memory_space<hbm>> -> memref<80xi32, #tpu.memory_space<hbm>>
      %dma_wait3A_260 = arith.constant 480 : i32
      %dma_wait3A_261 = tpu.memref_slice %arg23[%dma_wait3A_260] : memref<640xi32, #tpu.memory_space<vmem>> -> memref<80xi32, #tpu.memory_space<vmem>>
      tpu.wait_dma2 semaphore(%arg25 : memref<!tpu.dma_semaphore, #tpu.memory_space<semaphore_mem>>) src(%dma_wait3A_261 : memref<80xi32, #tpu.memory_space<vmem>>) dst(%dma_wait3A_259 : memref<80xi32, #tpu.memory_space<hbm>>)
      %add3A_262 = arith.constant 480 : i32
      %add3A_263 = arith.addi %mul3A_2, %add3A_262 : i32
      %dma_wait3A_264 = arith.constant 480 : i32
      %dma_wait3A_265 = arith.constant 0 : i32
      %dma_wait3A_266 = tpu.memref_slice %arg24[%dma_wait3A_264, %dma_wait3A_265] : memref<640x4xf32, #tpu.memory_space<vmem>> -> memref<80x4xf32, #tpu.memory_space<vmem>>
      %dma_wait3A_267 = arith.constant 0 : i32
      %dma_wait3A_268 = tpu.memref_slice %arg12[%add3A_263, %dma_wait3A_267] : memref<20000x4xf32, #tpu.memory_space<hbm>> -> memref<80x4xf32, #tpu.memory_space<hbm>>
      %dma_wait3A_269 = arith.constant 0 : i32
      %dma_wait3A_270 = tpu.memref_slice %arg12[%add3A_263, %dma_wait3A_269] : memref<20000x4xf32, #tpu.memory_space<hbm>> -> memref<80x4xf32, #tpu.memory_space<hbm>>
      %dma_wait3A_271 = arith.constant 480 : i32
      %dma_wait3A_272 = arith.constant 0 : i32
      %dma_wait3A_273 = tpu.memref_slice %arg24[%dma_wait3A_271, %dma_wait3A_272] : memref<640x4xf32, #tpu.memory_space<vmem>> -> memref<80x4xf32, #tpu.memory_space<vmem>>
      tpu.wait_dma2 semaphore(%arg25 : memref<!tpu.dma_semaphore, #tpu.memory_space<semaphore_mem>>) src(%dma_wait3A_273 : memref<80x4xf32, #tpu.memory_space<vmem>>) dst(%dma_wait3A_270 : memref<80x4xf32, #tpu.memory_space<hbm>>)
    } else {
    }
    %or3A_249 = arith.constant false
    %or3A_250 = arith.ori %lt3A_3, %or3A_249 : i1
    %convert_element_type3A_251 = arith.extui %or3A_250 : i1 to i32
    %cond3A_252 = arith.constant 0 : i32
    %cond3A_253 = arith.cmpi ne, %convert_element_type3A_251, %cond3A_252 : i32
    scf.if %cond3A_253 {
      %add3A_254 = arith.constant 560 : i32
      %add3A_255 = arith.addi %mul3A_2, %add3A_254 : i32
      %dma_wait3A_256 = arith.constant 560 : i32
      %dma_wait3A_257 = tpu.memref_slice %arg23[%dma_wait3A_256] : memref<640xi32, #tpu.memory_space<vmem>> -> memref<80xi32, #tpu.memory_space<vmem>>
      %dma_wait3A_258 = tpu.memref_slice %arg11[%add3A_255] : memref<20000xi32, #tpu.memory_space<hbm>> -> memref<80xi32, #tpu.memory_space<hbm>>
      %dma_wait3A_259 = tpu.memref_slice %arg11[%add3A_255] : memref<20000xi32, #tpu.memory_space<hbm>> -> memref<80xi32, #tpu.memory_space<hbm>>
      %dma_wait3A_260 = arith.constant 560 : i32
      %dma_wait3A_261 = tpu.memref_slice %arg23[%dma_wait3A_260] : memref<640xi32, #tpu.memory_space<vmem>> -> memref<80xi32, #tpu.memory_space<vmem>>
      tpu.wait_dma2 semaphore(%arg25 : memref<!tpu.dma_semaphore, #tpu.memory_space<semaphore_mem>>) src(%dma_wait3A_261 : memref<80xi32, #tpu.memory_space<vmem>>) dst(%dma_wait3A_259 : memref<80xi32, #tpu.memory_space<hbm>>)
      %add3A_262 = arith.constant 560 : i32
      %add3A_263 = arith.addi %mul3A_2, %add3A_262 : i32
      %dma_wait3A_264 = arith.constant 560 : i32
      %dma_wait3A_265 = arith.constant 0 : i32
      %dma_wait3A_266 = tpu.memref_slice %arg24[%dma_wait3A_264, %dma_wait3A_265] : memref<640x4xf32, #tpu.memory_space<vmem>> -> memref<80x4xf32, #tpu.memory_space<vmem>>
      %dma_wait3A_267 = arith.constant 0 : i32
      %dma_wait3A_268 = tpu.memref_slice %arg12[%add3A_263, %dma_wait3A_267] : memref<20000x4xf32, #tpu.memory_space<hbm>> -> memref<80x4xf32, #tpu.memory_space<hbm>>
      %dma_wait3A_269 = arith.constant 0 : i32
      %dma_wait3A_270 = tpu.memref_slice %arg12[%add3A_263, %dma_wait3A_269] : memref<20000x4xf32, #tpu.memory_space<hbm>> -> memref<80x4xf32, #tpu.memory_space<hbm>>
      %dma_wait3A_271 = arith.constant 560 : i32
      %dma_wait3A_272 = arith.constant 0 : i32
      %dma_wait3A_273 = tpu.memref_slice %arg24[%dma_wait3A_271, %dma_wait3A_272] : memref<640x4xf32, #tpu.memory_space<vmem>> -> memref<80x4xf32, #tpu.memory_space<vmem>>
      tpu.wait_dma2 semaphore(%arg25 : memref<!tpu.dma_semaphore, #tpu.memory_space<semaphore_mem>>) src(%dma_wait3A_273 : memref<80x4xf32, #tpu.memory_space<vmem>>) dst(%dma_wait3A_270 : memref<80x4xf32, #tpu.memory_space<hbm>>)
    } else {
    }
    return
  }
}

</mosaic_0001>

<sc_bundles>
// kernel: kernel.3.cloned.1.call-start
scs
__scs_entry_jumppad:
0x0: {  	(pc) =	sbr.rel $0x88, $3  }
0x1: {  	(tag) =	ssettag $0x0;
	lr =	simm.s32 $0x1  }
0x2: {  	[smem:$0x3F9E] =	sst lr;
	_ =	strace $0xD0000000  }
0x3: {  	_ = 	snop  }
0x4: {  	_ = 	snop  }
0x5: {  	_ = 	snop  }
0x6: {  	_ = 	snop  }
0x7: {  	_ = 	snop  }
__scs_overlays_trampoline_lowered:
0x8: {  	[smem:$0x3FAD] =	sst s0  }
0x9: {  	[smem:$0x3FAE] =	sst s1  }
0xa: {  	[smem:$0x3FAF] =	sst s2  }
0xb: {  	[smem:$0x3FB0] =	sst s3  }
0xc: {  	[smem:$0x3FB1] =	sst s4  }
0xd: {  	[smem:$0x3FB2] =	sst s5  }
0xe: {  	[smem:$0x3FB3] =	sst s6  }
0xf: {  	[smem:$0x3FB4] =	sst s7  }
0x10: {  	[smem:$0x3FB5] =	sst s8  }
0x11: {  	[smem:$0x3FB6] =	sst s9;
	s0 =	simm.s32 @!p0 $0x0  }
0x12: {  	s1 =	sld [smem:$0x3F9C];
	s0 =	simm.s32 @p0 $0x1  }
0x13: {  	[smem:$0x3FB7] =	sst s0;
	s0 =	simm.s32 @!p1 $0x0  }
0x14: {  	s2 =	sld [smem:$0x3F9B];
	s0 =	simm.s32 @p1 $0x1  }
0x15: {  	[smem:$0x3FB8] =	sst s0;
	s0 =	simm.s32 @!p2 $0x0  }
0x16: {  	s3 =	sld [smem:$0x3FDB];
	s0 =	simm.s32 @p2 $0x1  }
0x17: {  	s4 =	simm.s32 $0x1BF5;
	[smem:$0x3FBA] =	sst s0  }
0x18: {  	s0 =	sld [smem:$0x3F9D];
	_ =	swait.ge [sflag:s4], $0x0  }
0x19: {  	s7 =	sld [smem:$0x3F9E]  }
0x1a: {  	s8 =	sadd.s32 $0xFFFFE003, lr  }
0x1b: {  	s9 =	sadd.s32 $0xFFFFFEF7, lr;
	s5 =	simm.s32 $0xFFFFFFFF;
	p2 =	slt.u32 s8, $0xFFFFF086  }
0x1c: {  	p1 =	slt.u32 s9, $0xF7A;
	s5 =	simm.s32 @!p2 $0x0  }
0x1d: {  	s5 =	simm.s32 @p1 $0x1;
	p0 =	seq.s32 s7, s2  }
0x1e: {  	s7 =	smul.u32 @!p0 $0xF7A, s2;
	p2 =	seq.s32 @!p0 s5, $0x0  }
0x1f: {  	s9 =	smul.u32 $0xF7A, s1;
	s8 =	simm.s32 @!p0 $0x1BF5;
	p2 =	por !p2, p0  }
0x20: {  	[sflag:s8] =	ssyncset.s32 @!p0 $0xFFFFF086;
	s6 =	sadd.s32 @!p0 s3, s7;
	s7 =	simm.s32 @!p0 $0x108  }
0x21: {  	s3 =	sadd.s32 s3, s9;
	s6 =	sadd.s32 @!p0 $0x88, s6;
	s7 =	simm.s32 @p2 $0x1082  }
0x22: {  	[simem:s7], [sflag:s8] =	dma.local @!p0 [hbm:s6], $0xF7A  }
0x23: {  	s9 =	sor.u32 $0xD0000000, s2;
	s6 =	simm.s32 $0x108;
	_ =	swait.ge @!p0 [sflag:s8], $0x0  }
0x24: {  	s3 =	sadd.s32 $0x88, s3;
	s6 =	simm.s32 @!p1 $0x1082;
	[sflag:s4] =	ssyncset.s32 $0xFFFFF086  }
0x25: {  	[simem:s6], [sflag:s4] =	dma.local [hbm:s3], $0xF7A  }
0x26: {  	[smem:$0x3F9E] =	sst s1;
	(tag) =	ssettag s2;
	_ =	strace s9  }
0x27: {  	s1 =	sld [smem:$0x3FAE]  }
0x28: {  	s2 =	sld [smem:$0x3FAF]  }
0x29: {  	s4 =	sld [smem:$0x3FB1]  }
0x2a: {  	p0 =	seq.s32 s5, $0x0;
	s5 =	sld [smem:$0x3FB2]  }
0x2b: {  	s6 =	sld [smem:$0x3FB3]  }
0x2c: {  	s7 =	sld [smem:$0x3FB4]  }
0x2d: {  	s3 =	simm.s32 $0x108;
	s8 =	sld [smem:$0x3FB5]  }
0x2e: {  	s3 =	simm.s32 @!p0 $0x1082;
	s9 =	sld [smem:$0x3FB6]  }
0x2f: {  	lr =	sadd.s32 s0, s3;
	s0 =	sld [smem:$0x3FAD]  }
0x30: {  	s3 =	sld [smem:$0x3FB0]  }
0x31: {  	[smem:$0x3FB9] =	sst s10  }
0x32: {  	s10 =	sld [smem:$0x3FB7];
	_ =	sdelay $0x3  }
0x33: {  	p0 =	seq.s32 s10, $0x1;
	s10 =	sld [smem:$0x3FB9];
	_ =	sdelay $0x3  }
0x34: {  	[smem:$0x3FB9] =	sst s10  }
0x35: {  	s10 =	sld [smem:$0x3FB8];
	_ =	sdelay $0x3  }
0x36: {  	p1 =	seq.s32 s10, $0x1;
	s10 =	sld [smem:$0x3FB9];
	_ =	sdelay $0x3  }
0x37: {  	[smem:$0x3FB9] =	sst s10  }
0x38: {  	s10 =	sld [smem:$0x3FBA]  }
0x39: {  	_ = 	snop;
	(pc) =	sbr.ind lr, $3  }
0x3a: {  	_ = 	snop  }
0x3b: {  	_ = 	snop  }
0x3c: {  	p2 =	seq.s32 s10, $0x1;
	s10 =	sld [smem:$0x3FB9]  }
0x3d: {  	_ =	shalt  }
0x3e: {  	_ =	shalt  }
0x3f: {  	_ =	shalt  }
0x40: {  	_ =	shalt  }
0x41: {  	_ =	shalt  }
0x42: {  	_ =	shalt  }
0x43: {  	_ =	shalt  }
0x44: {  	_ =	shalt  }
0x45: {  	_ =	shalt  }
0x46: {  	_ =	shalt  }
0x47: {  	_ =	shalt  }
0x48: {  	_ =	shalt  }
0x49: {  	_ =	shalt  }
0x4a: {  	_ =	shalt  }
0x4b: {  	_ =	shalt  }
0x4c: {  	_ =	shalt  }
0x4d: {  	_ =	shalt  }
0x4e: {  	_ =	shalt  }
0x4f: {  	_ =	shalt  }
0x50: {  	_ =	shalt  }
0x51: {  	_ =	shalt  }
0x52: {  	_ =	shalt  }
0x53: {  	_ =	shalt  }
0x54: {  	_ =	shalt  }
0x55: {  	_ =	shalt  }
0x56: {  	_ =	shalt  }
0x57: {  	_ =	shalt  }
0x58: {  	_ =	shalt  }
0x59: {  	_ =	shalt  }
0x5a: {  	_ =	shalt  }
0x5b: {  	_ =	shalt  }
0x5c: {  	_ =	shalt  }
0x5d: {  	_ =	shalt  }
0x5e: {  	_ =	shalt  }
0x5f: {  	_ =	shalt  }
0x60: {  	_ =	shalt  }
0x61: {  	_ =	shalt  }
0x62: {  	_ =	shalt  }
0x63: {  	_ =	shalt  }
0x64: {  	_ =	shalt  }
0x65: {  	_ =	shalt  }
0x66: {  	_ =	shalt  }
0x67: {  	_ =	shalt  }
0x68: {  	_ =	shalt  }
0x69: {  	_ =	shalt  }
0x6a: {  	_ =	shalt  }
0x6b: {  	_ =	shalt  }
0x6c: {  	_ =	shalt  }
0x6d: {  	_ =	shalt  }
0x6e: {  	_ =	shalt  }
0x6f: {  	_ =	shalt  }
0x70: {  	_ =	shalt  }
0x71: {  	_ =	shalt  }
0x72: {  	_ =	shalt  }
0x73: {  	_ =	shalt  }
0x74: {  	_ =	shalt  }
0x75: {  	_ =	shalt  }
0x76: {  	_ =	shalt  }
0x77: {  	_ =	shalt  }
0x78: {  	_ =	shalt  }
0x79: {  	_ =	shalt  }
0x7a: {  	_ =	shalt  }
0x7b: {  	_ =	shalt  }
0x7c: {  	_ =	shalt  }
0x7d: {  	_ =	shalt  }
0x7e: {  	_ =	shalt  }
0x7f: {  	_ =	shalt  }
0x80: {  	_ =	shalt  }
0x81: {  	_ =	shalt  }
0x82: {  	_ =	shalt  }
0x83: {  	_ =	shalt  }
0x84: {  	_ =	shalt  }
0x85: {  	_ =	shalt  }
0x86: {  	_ =	shalt  }
0x87: {  	_ =	shalt  }
.Lfunc_end0:
.L_simem_size_0:
called_computation_lowered:
.L_overlay_start_0:
0x88: {  	s2 =	sld [smem:$0x3FD9]  }
0x89: {  	s3 =	sld [smem:$0x3FFE];
	_ =	sdelay $0x1  }
0x8a: {  	s1 =	srdreg.scid  }
0x8b: {  	s0 =	sand.u32 $0x1, s1  }
0x8c: {  	s14 =	sshll.u32 s0, $0xA;
	s2 =	sadd.s32 s3, s2  }
0x8d: {  	s2 =	sadd.s32 s2, s14  }
0x8e: {  	[smem:$0x3FC5] =	sst s2  }
0x8f: {  	_ = 	snop  }
0x90: {  	s2 =	sld [smem:$0x3FD0];
	_ =	sdelay $0x2  }
0x91: {  	s4 =	simm.s32 $0xA;
	s5 =	simm.s32 $0x10;
	s15 =	sld [smem:$0x3FC7]  }
0x92: {  	[smem:s5], [sflag:s4] =	dma.local [hbm:s2], $0x1  }
0x93: {  	_ =	swait.eq [sflag:s4], $0x1  }
0x94: {  	[sflag:s4] =	ssyncset.done $0x0  }
0x95: {  	s16 =	sld [smem:$0x10];
	[sflag:s4] =	ssyncadd.s32 $0xFFFFFFFF  }
0x96: {  	s17 =	sld [smem:$0x11];
	(tm) =	ssettm $0x1  }
0x97: {  	s18 =	sld [smem:$0x3FFB];
	_ =	sdelay $0x3  }
0x98: {  	_ =	strace s18  }
0x99: {  	s5 =	sld [smem:$0x3FFC];
	_ =	sdelay $0x3  }
0x9a: {  	_ =	strace s5  }
0x9b: {  	s5 =	sld [smem:$0x3FFD];
	_ =	sdelay $0x3  }
0x9c: {  	_ =	strace s5  }
0x9d: {  	_ =	strace $0x8FFFFFFF  }
0x9e: {  	s19 =	sld [smem:$0x3FDB];
	_ =	sdelay $0x1  }
0x9f: {  	s6 =	simm.s32 $_scs_section_size  }
0xa0: {  	s7 =	simm.s32 $_size__tile_overlayer_lowered;
	s8 =	simm.s32 $_tile_overlayer_lowered  }
0xa1: {  	s22 =	simm.s32 $0x1BFF;
	s21 =	sshll.u32 s8, $0x1;
	s5 =	sadd.s32 s6, s19  }
0xa2: {  	s9 =	simm.s32 $0x0;
	s20 =	sshll.u32 s7, $0x1;
	s7 =	sadd.s32 s21, s5  }
0xa3: {  	[timem:s9], [sflag:s22] =	dma.local [hbm:s7], s20  }
0xa4: {  	_ =	swait.ge [sflag:s22], s20  }
0xa5: {  	s6 =	ssub.s32 $0x0, s20;
	[sflag:s22] =	ssyncset.done $0x0  }
0xa6: {  	[sflag:s22] =	ssyncadd.s32 s6;
	_ =	sdelay $0x1  }
0xa7: {  	s23 =	simm.s32 $0x1B8B  }
0xa8: {  	_ =	swait.ge [sflag:s23], $0x1  }
0xa9: {  	[sflag:s23] =	ssyncset.done $0x0  }
0xaa: {  	s25 =	simm.s32 $0x1B8E;
	s24 =	sld [smem:$0x3FFE];
	[sflag:s23] =	ssyncadd.s32 $0xFFFFFFFF  }
0xab: {  	s26 =	simm.s32 $execute0_lowered;
	[smem:$0x3FD2] =	sst s25  }
0xac: {  	s7 =	sshll.u32 s26, $0x1;
	_ =	strace $0x80000046;
	[dreg:$0x1] =	wrdreg $0xFFFFFFFF  }
0xad: {  	s28 =	simm.s32 $_size_execute0_lowered;
	s5 =	sadd.s32 s5, s7;
	[dreg:$0x0] =	wrdreg $0x0  }
0xae: {  	s7 =	sshll.u32 s28, $0x1;
	[dreg:$0x2] =	wrdreg s5  }
0xaf: {  	[dreg:$0x3] =	wrdreg s7  }
0xb0: {  	[dreg:$0x4] =	wrdreg $0xC0  }
0xb1: {  	_ =	task [dreg:s9], $0x5FFFF  }
0xb2: {  	[dreg:$0x1] =	wrdreg $0xFFFFFFFF  }
0xb3: {  	[dreg:$0x0] =	wrdreg $0x60  }
0xb4: {  	[dreg:$0x2] =	wrdreg s24  }
0xb5: {  	[dreg:$0x3] =	wrdreg s17  }
0xb6: {  	[dreg:$0x4] =	wrdreg s15  }
0xb7: {  	[dreg:$0x5] =	wrdreg s16  }
0xb8: {  	[dreg:$0x6] =	wrdreg $0x9  }
0xb9: {  	_ =	task.clear_ibuf [dreg:s9], $0x7FFFF;
	_ =	strace $0x90000046  }
0xba: {  	s29 =	simm.s32 $0x9;
	_ =	strace $0x80000048  }
0xbb: {  	_ =	swait.ge [sflag:s29], $0x1  }
0xbc: {  	[sflag:s29] =	ssyncadd.s32 $0xFFFFFFFF  }
0xbd: {  	_ =	strace $0x90000048  }
0xbe: {  	_ =	sfence  }
0xbf: {  	s30 =	sld [smem:$0x0];
	_ =	sdelay $0x2  }
0xc0: {  	s31 =	sshll.u32 s1, $0xD;
	s1 =	sshrl.u32 s1, $0x2  }
0xc1: {  	s3 =	sand.u32 $0x4000, s31;
	s1 =	sadd.s32 s1, s30  }
0xc2: {  	s0 =	sor.u32 s3, s0;
	s1 =	sshll.u32 s1, $0x11  }
0xc3: {  	s0 =	sor.u32 s1, s0  }
0xc4: {  	s0 =	sadd.s32 $0x8F2B, s0  }
0xc5: {  	[sflag:s0] =	ssyncadd.remote.s32 $0x1  }
0xc6: {  	_ =	sfence.sel $0xFFFF  }
0xc7: {  	[dreg:$0x0] =	wrdreg $0xFFFFFFFF;
	(pc) =	sbr.abs _section_cstart, $3  }
0xc8: {  	[dreg:$0x1] =	wrdreg $0xFFFFFFFF  }
0xc9: {  	_ =	task.clear_ibuf [dreg:s9], $0x2FFFF;
	_ =	strace $0x9FFFFFFF  }
0xca: {  	(tm) =	ssettm $0x7FFFFFFF  }
0xcb: {  	_ =	shalt  }
tec
execute0_lowered:
.L_overlay_start_1:
0x0: {  	(tag) =	ssettag $0x1  }
0x1: {  	s10 =	rddreg [dreg:$0x0]  }
0x2: {  	s0 =	rddreg [dreg:$0x1]  }
0x3: {  	s3 =	rddreg [dreg:$0x3];
	s5 =	simm.s32 $0x0  }
0x4: {  	s1 =	srdreg.scid;
	s4 =	stileid.u32;
	s28 =	simm.s32 $0xC80  }
0x5: {  	s29 =	simm.s32 $0x1;
	s30 =	simm.s32 $0xC00;
	s31 =	simm.s32 $0xF80  }
0x6: {  	[smem:$0x7FF] =	sst s5;
	s2 =	sadd.s32 $0x1C00, s10;
	s1 =	sand.u32 $0x1, s1  }
0x7: {  	s4 =	sshll.u32 s4, $0x1;
	s6 =	sadd.s32 $0x1200, s10;
	s8 =	sadd.s32 $0x800, s10  }
0x8: {  	s7 =	sadd.s32 $0x600, s10;
	s9 =	sadd.s32 $0x400, s10;
	s22 =	sadd.s32 $0x200, s10  }
0x9: {  	s10 =	sadd.s32 $0x2600, s10;
	_ =	strace $0x80000047;
	[dreg:$0x5] =	wrdreg s7  }
0xa: {  	s4 =	sor.u32 s1, s4;
	s1 =	ssub.s32 $0x2, s1;
	[dreg:$0x6] =	wrdreg s9  }
0xb: {  	[dreg:$0x7] =	wrdreg s22;
	s7 =	smul.u32 $0x280, s4;
	s23 =	sshrl.u32 s1, $0x1  }
0xc: {  	p0 =	seq.s32 s4, $0x1F;
	p1 =	sne.s32 s4, $0x1F;
	s1 =	ssub.s32 s1, s23  }
0xd: {  	s23 =	simm.s32 $0xA00;
	s24 =	sshrl.u32 s7, $0x3;
	s19 =	smax.u32 s1, $0x1  }
0xe: {  	s11 =	sadd.s32 s2, s24;
	s25 =	sadd.s32 s6, s24;
	s26 =	sadd.s32 $0x14, s24  }
0xf: {  	v0 =	vlaneseq.u32;
	s13 =	sadd.s32 s8, s24;
	s14 =	sadd.s32 s0, s24;
	[dreg:$0x8] =	wrdreg s11  }
0x10: {  	v0 =	vmul.u32 $0x80, v0;
	s24 =	simm.s32 $0xA80;
	[dreg:$0x9] =	wrdreg s25;
	s15 =	sadd.s32 s2, s26  }
0x11: {  	s16 =	sadd.s32 s6, s26;
	s17 =	sadd.s32 s8, s26;
	s18 =	sadd.s32 s0, s26  }
0x12: {  	[tilespmem:$0x1FFF0] =	vst v0;
	s25 =	simm.s32 $0xB00;
	s26 =	simm.s32 $0xB80;
	s0 =	simm.s32 $0x0  }
.LBB2_1:
0x13: {  	s1 =	rddreg [dreg:$0x8]  }
0x14: {  	[tilespmem:s5], [sflag:$0x1] =	stream.linear.gather [hbm4b:s1+s5], $0xA0, $0x38;
	[tilespmem:$0x14F80] =	vst v63  }
0x15: {  	s6 =	rddreg [dreg:$0x9];
	s2 =	simm.s32 $0x280  }
0x16: {  	[tilespmem:s2], [sflag:$0x1] =	stream.linear.gather [hbm4b:s6+s5], $0xA0, $0x38;
	[tilespmem:$0x14F80] =	vst v63  }
0x17: {  	s8 =	simm.s32 $0x500  }
0x18: {  	[tilespmem:s8], [sflag:$0x1] =	stream.linear.gather [hbm4b:s13+s5], $0xA0, $0x38;
	[tilespmem:$0x14F80] =	vst v63  }
0x19: {  	s9 =	simm.s32 $0x780  }
0x1a: {  	[tilespmem:s9], [sflag:$0x1] =	stream.linear.gather [hbm4b:s14+s5], $0xA0, $0x38;
	[tilespmem:$0x14F80] =	vst v63  }
0x1b: {  	s11 =	rddreg [dreg:$0x5]  }
0x1c: {  	[tilespmem:s23], [sflag:$0x1] =	stream.linear.gather [hbm4b:s11+s5], $0x80, $0x38;
	[tilespmem:$0x14F80] =	vst v63  }
0x1d: {  	s12 =	rddreg [dreg:$0x6]  }
0x1e: {  	[tilespmem:s24], [sflag:$0x1] =	stream.linear.gather [hbm4b:s12+s5], $0x80, $0x38;
	[tilespmem:$0x14F80] =	vst v63  }
0x1f: {  	s20 =	rddreg [dreg:$0x7]  }
0x20: {  	[tilespmem:s25], [sflag:$0x1] =	stream.linear.gather [hbm4b:s20+s5], $0x80, $0x38;
	[tilespmem:$0x14F80] =	vst v63  }
0x21: {  	s21 =	rddreg [dreg:$0x0]  }
0x22: {  	[tilespmem:s26], [sflag:$0x1] =	stream.linear.gather [hbm4b:s21+s5], $0x80, $0x38;
	[tilespmem:$0x14F80] =	vst v63  }
0x23: {  	s22 =	rddreg [dreg:$0x2]  }
0x24: {  	[tilespmem:s28], [sflag:$0x1] =	stream.linear.gather [hbm4b:s22+s5], $0x80, $0x38;
	[tilespmem:$0x14F80] =	vst v63  }
0x25: {  	s1 =	simm.s32 @!p0 $0x0;
	s2 =	simm.s32 @!p0 $0xA0  }
0x26: {  	[tilespmem:s2], [sflag:$0x1] =	stream.linear.gather @!p0 [hbm4b:s15+s1], $0x1E0, $0x38;
	[tilespmem:$0x14F80] =	vst v63  }
0x27: {  	s2 =	simm.s32 @!p0 $0x320  }
0x28: {  	[tilespmem:s2], [sflag:$0x1] =	stream.linear.gather @!p0 [hbm4b:s16+s1], $0x1E0, $0x38;
	[tilespmem:$0x14F80] =	vst v63  }
0x29: {  	s2 =	simm.s32 @!p0 $0x5A0  }
0x2a: {  	[tilespmem:s2], [sflag:$0x1] =	stream.linear.gather @!p0 [hbm4b:s17+s1], $0x1E0, $0x38;
	[tilespmem:$0x14F80] =	vst v63  }
0x2b: {  	s2 =	simm.s32 @!p0 $0x820  }
0x2c: {  	[tilespmem:s2], [sflag:$0x1] =	stream.linear.gather @!p0 [hbm4b:s18+s1], $0x1E0, $0x38;
	[tilespmem:$0x14F80] =	vst v63  }
0x2d: {  	_ =	swait.ge [sflag:s29], $0xA0  }
0x2e: {  	[sflag:s29] =	ssyncset.done $0x0  }
0x2f: {  	[sflag:s29] =	ssyncadd.s32 $0xFFFFFF60  }
0x30: {  	_ =	swait.ge [sflag:s29], $0xA0  }
0x31: {  	[sflag:s29] =	ssyncset.done $0x0  }
0x32: {  	[sflag:s29] =	ssyncadd.s32 $0xFFFFFF60  }
0x33: {  	_ =	swait.ge [sflag:s29], $0xA0  }
0x34: {  	[sflag:s29] =	ssyncset.done $0x0  }
0x35: {  	[sflag:s29] =	ssyncadd.s32 $0xFFFFFF60  }
0x36: {  	_ =	swait.ge [sflag:s29], $0xA0  }
0x37: {  	[sflag:s29] =	ssyncset.done $0x0  }
0x38: {  	[sflag:s29] =	ssyncadd.s32 $0xFFFFFF60  }
0x39: {  	_ =	swait.ge [sflag:s29], $0x80  }
0x3a: {  	[sflag:s29] =	ssyncset.done $0x0  }
0x3b: {  	[sflag:s29] =	ssyncadd.s32 $0xFFFFFF80  }
0x3c: {  	_ =	swait.ge [sflag:s29], $0x80  }
0x3d: {  	[sflag:s29] =	ssyncset.done $0x0  }
0x3e: {  	[sflag:s29] =	ssyncadd.s32 $0xFFFFFF80  }
0x3f: {  	_ =	swait.ge [sflag:s29], $0x80  }
0x40: {  	[sflag:s29] =	ssyncset.done $0x0  }
0x41: {  	[sflag:s29] =	ssyncadd.s32 $0xFFFFFF80  }
0x42: {  	_ =	swait.ge [sflag:s29], $0x80  }
0x43: {  	[sflag:s29] =	ssyncset.done $0x0  }
0x44: {  	[sflag:s29] =	ssyncadd.s32 $0xFFFFFF80  }
0x45: {  	_ =	swait.ge [sflag:s29], $0x80  }
0x46: {  	[sflag:s29] =	ssyncset.done $0x0  }
0x47: {  	s1 =	simm.s32 @!p0 $0x1;
	[sflag:s29] =	ssyncadd.s32 $0xFFFFFF80  }
0x48: {  	_ =	swait.ge @!p0 [sflag:s1], $0x1E0  }
0x49: {  	[sflag:s1] =	ssyncset.done @!p0 $0x0  }
0x4a: {  	[sflag:s1] =	ssyncadd.s32 @!p0 $0xFFFFFE20  }
0x4b: {  	_ =	swait.ge @!p0 [sflag:s1], $0x1E0  }
0x4c: {  	[sflag:s1] =	ssyncset.done @!p0 $0x0  }
0x4d: {  	[sflag:s1] =	ssyncadd.s32 @!p0 $0xFFFFFE20  }
0x4e: {  	_ =	swait.ge @!p0 [sflag:s1], $0x1E0  }
0x4f: {  	[sflag:s1] =	ssyncset.done @!p0 $0x0  }
0x50: {  	[sflag:s1] =	ssyncadd.s32 @!p0 $0xFFFFFE20  }
0x51: {  	_ =	swait.ge @!p0 [sflag:s1], $0x1E0  }
0x52: {  	[sflag:s1] =	ssyncset.done @!p0 $0x0  }
0x53: {  	[sflag:s1] =	ssyncadd.s32 @!p0 $0xFFFFFE20  }
0x54: {  	v0 =	vld [tilespmem:$0xA00]  }
0x55: {  	v1 =	vld [tilespmem:$0xA80]  }
0x56: {  	v2 =	vld [tilespmem:$0xB00]  }
0x57: {  	v3 =	vld [tilespmem:$0xB80]  }
0x58: {  	v4 =	vld [tilespmem:$0xA10]  }
0x59: {  	v5 =	vld [tilespmem:$0xA90]  }
0x5a: {  	v6 =	vld [tilespmem:$0xB10]  }
0x5b: {  	v7 =	vld [tilespmem:$0xB90]  }
0x5c: {  	v8 =	vld [tilespmem:$0xA20]  }
0x5d: {  	v9 =	vld [tilespmem:$0xAA0]  }
0x5e: {  	v10 =	vld [tilespmem:$0xB20]  }
0x5f: {  	v11 =	vld [tilespmem:$0xBA0]  }
0x60: {  	v12 =	vld [tilespmem:$0xA30]  }
0x61: {  	v13 =	vld [tilespmem:$0xAB0]  }
0x62: {  	v14 =	vld [tilespmem:$0xB30]  }
0x63: {  	v15 =	vld [tilespmem:$0xBB0]  }
0x64: {  	v16 =	vld [tilespmem:$0xA40]  }
0x65: {  	v17 =	vld [tilespmem:$0xAC0]  }
0x66: {  	v18 =	vld [tilespmem:$0xB40]  }
0x67: {  	v19 =	vld [tilespmem:$0xBC0]  }
0x68: {  	v20 =	vld [tilespmem:$0xA50]  }
0x69: {  	v21 =	vld [tilespmem:$0xAD0]  }
0x6a: {  	v22 =	vld [tilespmem:$0xB50]  }
0x6b: {  	v23 =	vld [tilespmem:$0xBD0]  }
0x6c: {  	v24 =	vld [tilespmem:$0xA60]  }
0x6d: {  	v39 =	vld [tilespmem:$0xAE0]  }
0x6e: {  	v41 =	vld [tilespmem:$0xB60]  }
0x6f: {  	v42 =	vld [tilespmem:$0xBE0]  }
0x70: {  	v45 =	vld [tilespmem:$0xA70];
	v0 =	vsub.f32 v2, v0  }
0x71: {  	v47 =	vld [tilespmem:$0xAF0];
	v1 =	vsub.f32 v3, v1;
	v40 =	vsub.f32 v6, v4  }
0x72: {  	v49 =	vld [tilespmem:$0xB70];
	v5 =	vsub.f32 v7, v5;
	v43 =	vsub.f32 v10, v8  }
0x73: {  	v51 =	vld [tilespmem:$0xBF0];
	v44 =	vsub.f32 v11, v9;
	v46 =	vsub.f32 v14, v12  }
0x74: {  	v48 =	vsub.f32 v15, v13;
	v50 =	vsub.f32 v18, v16  }
0x75: {  	v52 =	vsub.f32 v19, v17;
	v53 =	vsub.f32 v22, v20  }
0x76: {  	v54 =	vsub.f32 v23, v21;
	v55 =	vsub.f32 v41, v24  }
0x77: {  	v2 =	vsub.f32 v42, v39;
	v59 =	vsub.f32 v49, v45  }
0x78: {  	v60 =	vsub.f32 v51, v47;
	v0 =	vmax.f32 v0, $0.0e+00;
	v1 =	vmax.f32 v1, $0.0e+00  }
0x79: {  	v3 =	vmax.f32 v40, $0.0e+00;
	v5 =	vmax.f32 v5, $0.0e+00;
	v0 =	vmul.f32 v1, v0  }
0x7a: {  	v9 =	vmax.f32 v46, $0.0e+00;
	v11 =	vmax.f32 v48, $0.0e+00;
	v3 =	vmul.f32 v5, v3  }
0x7b: {  	v56 =	vmax.f32 v50, $0.0e+00;
	v57 =	vmax.f32 v52, $0.0e+00;
	v9 =	vmul.f32 v11, v9;
	[tilespmem:$0xC00] =	vst v0  }
0x7c: {  	v7 =	vmax.f32 v44, $0.0e+00;
	v1 =	vmax.f32 v43, $0.0e+00;
	v58 =	vmul.f32 v57, v56;
	[tilespmem:$0xC10] =	vst v3  }
0x7d: {  	v61 =	vmax.f32 v53, $0.0e+00;
	v62 =	vmax.f32 v54, $0.0e+00;
	v1 =	vmul.f32 v7, v1;
	[tilespmem:$0xC30] =	vst v9  }
0x7e: {  	v2 =	vmax.f32 v2, $0.0e+00;
	v5 =	vmul.f32 v62, v61;
	v0 =	vmax.f32 v55, $0.0e+00;
	[tilespmem:$0xC40] =	vst v58  }
0x7f: {  	v63 =	vmax.f32 v59, $0.0e+00;
	[tilespmem:$0xC20] =	vst v1;
	v0 =	vmul.f32 v2, v0;
	v1 =	vmax.f32 v60, $0.0e+00  }
0x80: {  	[tilespmem:$0xC50] =	vst v5;
	v1 =	vmul.f32 v1, v63  }
0x81: {  	[tilespmem:$0xC60] =	vst v0  }
0x82: {  	s4 =	simm.s32 $0x0;
	[tilespmem:$0xC70] =	vst v1  }
.LBB2_2:
0x83: {  	s2 =	smul.u32 $0x50, s4;
	_ =	sdelay $0x1  }
0x84: {  	v17 =	vld [tilespmem:s2+$0x0]  }
0x85: {  	v18 =	vld [tilespmem:s2+$0x10]  }
0x86: {  	v19 =	vld [tilespmem:s2+$0x20]  }
0x87: {  	v20 =	vld [tilespmem:s2+$0x30]  }
0x88: {  	v21 =	vld [tilespmem:s2+$0x40]  }
0x89: {  	v22 =	vld [tilespmem:s2+$0x280]  }
0x8a: {  	v23 =	vld [tilespmem:s2+$0x290]  }
0x8b: {  	v24 =	vld [tilespmem:s2+$0x2A0]  }
0x8c: {  	v25 =	vld [tilespmem:s2+$0x2B0]  }
0x8d: {  	v27 =	vld [tilespmem:s2+$0x2C0]  }
0x8e: {  	v28 =	vld [tilespmem:s2+$0x500]  }
0x8f: {  	v29 =	vld [tilespmem:s2+$0x510]  }
0x90: {  	v30 =	vld [tilespmem:s2+$0x520]  }
0x91: {  	v43 =	vld [tilespmem:s2+$0x780]  }
0x92: {  	s20 =	simm.s32 $0x1;
	v31 =	vld [tilespmem:s2+$0x790]  }
0x93: {  	s21 =	simm.s32 $0x0;
	v0 =	vmov s20;
	v32 =	vld [tilespmem:s2+$0x530]  }
0x94: {  	v13 =	vmov s21;
	v33 =	vld [tilespmem:s2+$0x540]  }
0x95: {  	v34 =	vld [tilespmem:s2+$0x7A0]  }
0x96: {  	v2 =	vimm.f32 $0.0e+00;
	v47 =	vimm.s32 $0x0;
	v36 =	vld [tilespmem:s2+$0x7C0];
	v1 =	vsub.f32 v28, v17  }
0x97: {  	v55 =	vimm.f32 $1.000000000e+00;
	v35 =	vld [tilespmem:s2+$0x7B0];
	v3 =	vsub.f32 v43, v22;
	v4 =	vsub.f32 v29, v18  }
0x98: {  	v54 =	vimm.f32 $0.0e+00;
	v7 =	vld.idx.msk [tilespmem:v0+s23+$0x0], $0xffff;
	v5 =	vsub.f32 v31, v23;
	v6 =	vsub.f32 v30, v19  }
0x99: {  	v48 =	vld.idx.msk [tilespmem:v13+s30+$0x0], $0xffff;
	v1 =	vmax.f32 v1, $0.0e+00;
	v3 =	vmax.f32 v3, $0.0e+00;
	v4 =	vmax.f32 v4, $0.0e+00  }
0x9a: {  	v5 =	vmax.f32 v5, $0.0e+00;
	v40 =	vmul.f32 v3, v1;
	v1 =	vsub.f32 v34, v24  }
0x9b: {  	v8 =	vsub.f32 v33, v21;
	v9 =	vsub.f32 v36, v27;
	v16 =	vmul.f32 v5, v4;
	v3 =	vld.idx.msk [tilespmem:v0+s25+$0x0], $0xffff  }
0x9c: {  	v4 =	vmax.f32 v6, $0.0e+00;
	v5 =	vsub.f32 v32, v20;
	v1 =	vmax.f32 v1, $0.0e+00  }
0x9d: {  	v6 =	vsub.f32 v35, v25;
	v11 =	vmax.f32 v17, v7;
	v1 =	vmul.f32 v1, v4  }
0x9e: {  	[tilespmem:$0x1FE90] =	vst v22;
	v38 =	vmax.f32 v21, v7;
	v62 =	vmax.f32 v18, v7;
	v50 =	vadd.f32 v48, v16  }
0x9f: {  	v4 =	vmax.f32 v6, $0.0e+00;
	v6 =	vld.idx.msk [tilespmem:v0+s26+$0x0], $0xffff;
	[tilespmem:$0x1FE50] =	vst v1;
	v1 =	vmax.f32 v5, $0.0e+00;
	v5 =	vimm.f32 $1.000000000e+00  }
0xa0: {  	[tilespmem:$0x1FEA0] =	vst v23;
	v10 =	vmin.f32 v30, v3;
	v63 =	vmin.f32 v33, v3;
	v60 =	vmin.f32 v29, v3  }
0xa1: {  	v41 =	vld.idx.msk [tilespmem:v0+s30+$0x0], $0xffff;
	[tilespmem:$0x1FEC0] =	vst v34;
	v53 =	vmul.f32 v4, v1;
	v1 =	vmax.f32 v8, $0.0e+00;
	v4 =	vmax.f32 v9, $0.0e+00  }
0xa2: {  	v8 =	vmin.f32 v32, v3;
	v9 =	vmax.f32 v20, v7;
	v42 =	vmul.f32 v4, v1;
	v1 =	vld.idx.msk [tilespmem:v0+s24+$0x0], $0xffff  }
0xa3: {  	[tilespmem:$0x1FED0] =	vst v24;
	v4 =	vmin.f32 v28, v3;
	v8 =	vsub.f32 v8, v9;
	v9 =	vmax.f32 v19, v7  }
0xa4: {  	[tilespmem:$0x1FEE0] =	vst v25;
	v12 =	vmin.f32 v31, v6;
	v14 =	vmin.f32 v36, v6;
	v15 =	vmin.f32 v35, v6  }
0xa5: {  	[tilespmem:$0x1FEF0] =	vst v17;
	v4 =	vsub.f32 v4, v11;
	v11 =	vmin.f32 v34, v6;
	v0 =	vmin.f32 v43, v6  }
0xa6: {  	[tilespmem:$0x1FF00] =	vst v43;
	v45 =	vsub.f32 v10, v9;
	v8 =	vmax.f32 v8, $0.0e+00;
	v3 =	vadd.f32 v41, v42  }
0xa7: {  	[tilespmem:$0x1FF10] =	vst v28;
	v9 =	vld.idx.msk [tilespmem:v13+s24+$0x0], $0xffff;
	v7 =	vadd.f32 v48, v42;
	v61 =	vmax.f32 v4, $0.0e+00;
	v26 =	vmax.f32 v25, v1  }
0xa8: {  	[tilespmem:$0x1FF20] =	vst v29;
	v37 =	vmax.f32 v27, v1;
	v6 =	vmax.f32 v24, v1;
	v15 =	vsub.f32 v15, v26  }
0xa9: {  	v10 =	vld.idx.msk [tilespmem:v13+s26+$0x0], $0xffff;
	v26 =	vmax.f32 v22, v1;
	v14 =	vsub.f32 v14, v37;
	v39 =	vsub.f32 v11, v6  }
0xaa: {  	[tilespmem:$0x1FF30] =	vst v31;
	v6 =	vsub.f32 v63, v38;
	v1 =	vmax.f32 v23, v1;
	v38 =	vadd.f32 v41, v53  }
0xab: {  	[tilespmem:$0x1FE70] =	vst v40;
	v63 =	vadd.f32 v48, v40;
	v40 =	vimm.f32 $1.000000000e+00;
	v59 =	vsub.f32 v0, v26  }
0xac: {  	v11 =	vld.idx.msk [tilespmem:v13+s25+$0x0], $0xffff;
	v49 =	vsub.f32 v12, v1;
	v12 =	vmax.f32 v24, v9;
	v26 =	vmul.f32 v7, v2  }
0xad: {  	[tilespmem:$0x1FE80] =	vst v42;
	v0 =	vmax.f32 v6, $0.0e+00;
	v42 =	vmul.f32 v15, v8;
	v8 =	vmax.f32 v22, v9  }
0xae: {  	v1 =	vld.idx.msk [tilespmem:v13+s23+$0x0], $0xffff;
	v6 =	vmin.f32 v34, v10;
	v34 =	vmax.f32 v25, v9;
	v15 =	vmin.f32 v43, v10  }
0xaf: {  	[tilespmem:$0x1FF40] =	vst v32;
	v43 =	vimm.s32 $0x0;
	v4 =	vmul.f32 v14, v0;
	v0 =	vmax.f32 v23, v9  }
0xb0: {  	[tilespmem:$0x1FF50] =	vst v27;
	v58 =	vsub.f32 v6, v12;
	v6 =	vmin.f32 v31, v10;
	v9 =	vmax.f32 v27, v9  }
0xb1: {  	[tilespmem:$0x1FF60] =	vst v30;
	v15 =	vsub.f32 v15, v8;
	v12 =	vmin.f32 v28, v11;
	v57 =	vmin.f32 v29, v11  }
0xb2: {  	[tilespmem:$0x1FF70] =	vst v36;
	v44 =	vmin.f32 v32, v11;
	v51 =	vmin.f32 v30, v11;
	v11 =	vmin.f32 v33, v11  }
0xb3: {  	[tilespmem:$0x1FF80] =	vst v19;
	v13 =	vmax.f32 v17, v1;
	v52 =	vmax.f32 v19, v1;
	v46 =	vmax.f32 v20, v1  }
0xb4: {  	[tilespmem:$0x1FF90] =	vst v20;
	v12 =	vsub.f32 v12, v13;
	v13 =	vmin.f32 v36, v10;
	v44 =	vsub.f32 v44, v46  }
0xb5: {  	[tilespmem:$0x1FFA0] =	vst v35;
	v37 =	vsub.f32 v13, v9;
	v9 =	vmin.f32 v35, v10;
	v13 =	vmul.f32 v63, v2  }
0xb6: {  	[tilespmem:$0x1FFB0] =	vst v21;
	v14 =	vmax.f32 v12, $0.0e+00;
	v12 =	vmax.f32 v21, v1;
	v1 =	vmax.f32 v18, v1  }
0xb7: {  	[tilespmem:$0x1FFC0] =	vst v18;
	v8 =	vsub.f32 v9, v34;
	v9 =	vmax.f32 v44, $0.0e+00;
	v10 =	vsub.f32 v57, v1  }
0xb8: {  	[tilespmem:$0x1FFD0] =	vst v33;
	v44 =	vimm.f32 $0.0e+00;
	v46 =	vsub.f32 v11, v12;
	v1 =	vsub.f32 v51, v52  }
0xb9: {  	[tilespmem:$0x1FEB0] =	vst v16;
	v57 =	vadd.f32 v48, v53;
	v11 =	vimm.s32 $0x0;
	v52 =	vimm.f32 $1.000000000e+00  }
0xba: {  	s9 =	simm.s32 $0x2;
	s8 =	sadd.s32 $0x10, s2;
	[tilespmem:$0x1FFE0] =	vst v53;
	v53 =	vimm.f32 $0.0e+00;
	v51 =	vimm.s32 $0x0;
	v12 =	vimm.f32 $1.000000000e+00  }
0xbb: {  	s6 =	sadd.s32 $0x20, s2;
	s1 =	sadd.s32 $0x30, s2;
	s22 =	sadd.s32 $0x40, s2;
	[tilespmem:$0x1FE60] =	vst v3;
	v56 =	vmul.f32 v8, v9;
	v9 =	vimm.f32 $0.0e+00;
	v8 =	vimm.s32 $0x0  }
.LBB2_3:
0xbc: {  	v0 =	vsub.f32 v6, v0;
	v6 =	vsub.f32 v60, v62;
	v17 =	vld [tilespmem:$0x1FE50]  }
0xbd: {  	v18 =	vld [tilespmem:$0x1FEB0];
	v59 =	vmul.f32 v59, v61;
	v45 =	vmax.f32 v45, $0.0e+00;
	v14 =	vmul.f32 v15, v14  }
0xbe: {  	s12 =	smov.u32 s9;
	v3 =	vld [tilespmem:$0x1FE70];
	v1 =	vmax.f32 v1, $0.0e+00;
	v15 =	vmul.f32 v56, v5;
	v10 =	vmax.f32 v10, $0.0e+00  }
0xbf: {  	s11 =	sadd.s32 $0x1, s12;
	v39 =	vmul.f32 v39, v45;
	v46 =	vmax.f32 v46, $0.0e+00;
	v1 =	vmul.f32 v58, v1  }
0xc0: {  	v29 =	vld [tilespmem:$0x1FF10];
	v62 =	vmov s11;
	v0 =	vmul.f32 v0, v10;
	v16 =	vmul.f32 v14, v55  }
0xc1: {  	v30 =	vld [tilespmem:$0x1FF60];
	v6 =	vmax.f32 v6, $0.0e+00;
	v37 =	vmul.f32 v37, v46;
	v32 =	vmul.f32 v57, v2  }
0xc2: {  	v21 =	vld [tilespmem:$0x1FF90];
	v34 =	vmul.f32 v1, v40;
	vm0 =	vgt.f32 v16, v13;
	v16 =	vadd.f32 v41, v17  }
0xc3: {  	v19 =	vld [tilespmem:$0x1FEF0];
	vm1 =	vgt.f32 v15, v32;
	v15 =	vadd.f32 v41, v18;
	v41 =	vadd.f32 v41, v3  }
0xc4: {  	v20 =	vld [tilespmem:$0x1FF80];
	v55 =	vsel vm0, v63, v55;
	v14 =	vsel vm0, v14, v54;
	v2 =	vsel vm1, v56, v2  }
0xc5: {  	v27 =	vld [tilespmem:$0x1FEE0];
	v5 =	vsel vm1, v57, v5;
	v10 =	vmul.f32 v59, v55;
	v28 =	vmul.f32 v41, v14  }
0xc6: {  	v48 =	vadd.f32 v48, v17;
	v56 =	vld.idx.msk [tilespmem:v62+s25+$0x0], $0xffff;
	v35 =	vmul.f32 v38, v2;
	v36 =	vmul.f32 v42, v5  }
0xc7: {  	v31 =	vmul.f32 v0, v52;
	v32 =	vmul.f32 v50, v53;
	vm11 =	vgt.f32 v10, v28;
	v10 =	vld.idx.msk [tilespmem:v62+s26+$0x0], $0xffff  }
0xc8: {  	v33 =	vmul.f32 v48, v44;
	v11 =	vsel vm1, s21, v11;
	vm10 =	vgt.f32 v36, v35;
	v28 =	vld [tilespmem:$0x1FF50]  }
0xc9: {  	v6 =	vmul.f32 v49, v6;
	v11 =	vsel vm10, s20, v11;
	v54 =	vsel vm11, v59, v14;
	v59 =	vld.idx.msk [tilespmem:v62+s24+$0x0], $0xffff  }
0xca: {  	v13 =	vsel vm0, s21, v47;
	vm12 =	vgt.f32 v31, v32;
	vm9 =	vgt.f32 v34, v33;
	[tilespmem:$0x1FE30] =	vst v11;
	v11 =	vld [tilespmem:$0x1FF70]  }
0xcb: {  	v63 =	vld.idx.msk [tilespmem:v62+s23+$0x0], $0xffff;
	v0 =	vsel vm12, v0, v53;
	v1 =	vsel vm9, v1, v44;
	v34 =	vsel vm9, v48, v40  }
0xcc: {  	v33 =	vld [tilespmem:$0x1FF40];
	v49 =	vsel vm12, s21, v51;
	v14 =	vmul.f32 v39, v34;
	v35 =	vmul.f32 v16, v1  }
0xcd: {  	v25 =	vld [tilespmem:$0x1FED0];
	v43 =	vsel vm9, s21, v43;
	v2 =	vsel vm10, v42, v2;
	v5 =	vsel vm10, v38, v5  }
0xce: {  	v55 =	vsel vm11, v41, v55;
	v47 =	vsel vm11, s20, v13;
	vm2 =	vgt.f32 v14, v35;
	v35 =	vld [tilespmem:$0x1FEC0]  }
0xcf: {  	v40 =	vsel vm2, v16, v34;
	v34 =	vld [tilespmem:$0x1FFD0];
	v22 =	vmax.f32 v28, v59;
	v53 =	vmin.f32 v11, v10  }
0xd0: {  	v13 =	vmul.f32 v37, v12;
	v38 =	vmin.f32 v29, v56;
	v17 =	vsub.f32 v53, v22;
	v22 =	vld [tilespmem:$0x1FFB0]  }
0xd1: {  	v24 =	vld [tilespmem:$0x1FE90];
	v61 =	vmax.f32 v21, v63;
	v14 =	vsel vm12, v50, v52;
	v60 =	vmin.f32 v33, v56  }
0xd2: {  	v32 =	vld [tilespmem:$0x1FF30];
	vm13 =	vgt.f32 v13, v26;
	v13 =	vmov s12;
	v45 =	vsub.f32 v60, v61  }
0xd3: {  	v31 =	vld [tilespmem:$0x1FF00];
	v26 =	vmul.f32 v15, v0;
	v44 =	vsel vm2, v39, v1;
	v46 =	vmul.f32 v6, v14  }
0xd4: {  	v36 =	vld [tilespmem:$0x1FFA0];
	v7 =	vsel vm13, v7, v12;
	v16 =	vmax.f32 v45, $0.0e+00;
	v45 =	vmax.f32 v25, v59  }
0xd5: {  	v41 =	vld.idx.msk [tilespmem:v62+s30+$0x0], $0xffff;
	v50 =	vmin.f32 v35, v10;
	v12 =	vmin.f32 v34, v56;
	v23 =	vmax.f32 v22, v63  }
0xd6: {  	vm14 =	vgt.f32 v46, v26;
	v39 =	vsub.f32 v50, v45;
	v50 =	vsub.f32 v12, v23;
	v23 =	vld [tilespmem:$0x1FE60]  }
0xd7: {  	v42 =	vmin.f32 v30, v56;
	v57 =	vmax.f32 v19, v63;
	v53 =	vsel vm14, v6, v0;
	v6 =	vld [tilespmem:$0x1FEA0]  }
0xd8: {  	v48 =	vmax.f32 v20, v63;
	v38 =	vsub.f32 v38, v57;
	v43 =	vsel vm2, s20, v43;
	v26 =	vld [tilespmem:$0x1FF20]  }
0xd9: {  	v9 =	vsel vm13, v37, v9;
	v8 =	vsel vm13, s21, v8;
	v52 =	vsel vm14, v15, v14;
	v14 =	vld.idx.msk [tilespmem:v13+s24+$0x0], $0xffff  }
0xda: {  	v1 =	vmin.f32 v32, v10;
	v60 =	vmin.f32 v36, v10;
	v61 =	vmax.f32 v27, v59;
	v15 =	vld.idx.msk [tilespmem:v13+s26+$0x0], $0xffff  }
0xdb: {  	v57 =	vsub.f32 v60, v61;
	v60 =	vmul.f32 v4, v7;
	v46 =	vld.idx.msk [tilespmem:v13+s23+$0x0], $0xffff;
	v12 =	vmul.f32 v23, v9  }
0xdc: {  	v58 =	vmax.f32 v24, v59;
	v45 =	vsub.f32 v42, v48;
	v48 =	vld.idx.msk [tilespmem:v13+s30+$0x0], $0xffff;
	v0 =	vmax.f32 v6, v59  }
0xdd: {  	v51 =	vsel vm14, s20, v49;
	v49 =	vsub.f32 v1, v0;
	v1 =	vld.idx.msk [tilespmem:v13+s25+$0x0], $0xffff;
	vm15 =	vgt.f32 v60, v12  }
0xde: {  	v61 =	vmax.f32 v38, $0.0e+00;
	v10 =	vmin.f32 v31, v10;
	v12 =	vsel vm15, v23, v7;
	v7 =	vld [tilespmem:$0x1FE80]  }
0xdf: {  	[tilespmem:$0x1FE40] =	vst v2;
	v42 =	vmul.f32 v57, v16;
	v59 =	vsub.f32 v10, v58;
	v2 =	vsel vm15, s20, v8;
	v8 =	vld [tilespmem:$0x1FFE0]  }
0xe0: {  	v10 =	vmax.f32 v24, v14;
	v16 =	vmax.f32 v27, v14;
	v36 =	vmin.f32 v36, v15;
	v23 =	vld [tilespmem:$0x1FFC0]  }
0xe1: {  	v22 =	vmax.f32 v22, v46;
	v13 =	vmax.f32 v25, v14;
	v16 =	vsub.f32 v36, v16  }
0xe2: {  	v0 =	vmax.f32 v50, $0.0e+00;
	v50 =	vadd.f32 v48, v18;
	v60 =	vmin.f32 v26, v56  }
0xe3: {  	v56 =	vmin.f32 v31, v15;
	v31 =	vmin.f32 v33, v1;
	v33 =	vmax.f32 v20, v46  }
0xe4: {  	v9 =	vsel vm15, v4, v9;
	v4 =	vadd.f32 v41, v7;
	v38 =	vadd.f32 v41, v8  }
0xe5: {  	v62 =	vmax.f32 v23, v63;
	v63 =	vadd.f32 v48, v3;
	v7 =	vadd.f32 v48, v7  }
0xe6: {  	v57 =	vadd.f32 v48, v8;
	[tilespmem:$0x1FE60] =	vst v4;
	v4 =	vmul.f32 v17, v0;
	v0 =	vmax.f32 v6, v14  }
0xe7: {  	v6 =	vmin.f32 v35, v15;
	v17 =	vmax.f32 v19, v46;
	v14 =	vmax.f32 v28, v14  }
0xe8: {  	v35 =	vmax.f32 v21, v46;
	v46 =	vmax.f32 v23, v46;
	v58 =	vsub.f32 v6, v13  }
0xe9: {  	p2 =	sne.s32 s9, $0x7E;
	v13 =	vmin.f32 v29, v1;
	v29 =	vmin.f32 v26, v1;
	v6 =	vmin.f32 v32, v15  }
.Ltmp0:
0xea: {  	v26 =	vmul.f32 v7, v9;
	v32 =	vmin.f32 v11, v15;
	v18 =	vsub.f32 v31, v35;
	(pc) =	sbr.rel @p2 .LBB2_3-.Ltmp0, $4  }
0xeb: {  	v15 =	vsub.f32 v56, v10;
	v13 =	vsub.f32 v13, v17;
	v17 =	vmin.f32 v30, v1  }
0xec: {  	v37 =	vsub.f32 v32, v14;
	v1 =	vmin.f32 v34, v1;
	v10 =	vsub.f32 v29, v46  }
0xed: {  	v8 =	vmovc v2;
	v2 =	vld [tilespmem:$0x1FE40];
	v18 =	vmax.f32 v18, $0.0e+00;
	v46 =	vsub.f32 v1, v22;
	v1 =	vsub.f32 v17, v33  }
0xee: {  	s9 =	sadd.s32 $0x2, s9;
	s21 =	smov.u32 s12;
	s20 =	smov.u32 s11;
	v11 =	vld [tilespmem:$0x1FE30];
	v14 =	vmax.f32 v13, $0.0e+00;
	v13 =	vmul.f32 v63, v54;
	v56 =	vmul.f32 v16, v18  }
0xef: {  	v3 =	vld [tilespmem:$0x1FE70]  }
0xf0: {  	v14 =	vmul.f32 v15, v14;
	_ =	sdelay $0x1  }
0xf1: {  	v15 =	vmul.f32 v14, v55;
	_ =	sdelay $0x1  }
0xf2: {  	v35 =	vmul.f32 v59, v61;
	vm0 =	vgt.f32 v15, v13;
	v36 =	vadd.f32 v41, v3  }
0xf3: {  	v16 =	vsel vm0, v63, v55;
	v14 =	vsel vm0, v14, v54  }
0xf4: {  	v17 =	vmul.f32 v35, v16;
	v18 =	vmul.f32 v36, v14;
	_ =	sdelay $0x1  }
0xf5: {  	vm1 =	vgt.f32 v17, v18  }
0xf6: {  	v13 =	vsel vm1, v35, v14;
	v59 =	vsel vm1, v36, v16  }
0xf7: {  	v14 =	vsub.f32 v59, v13;
	_ =	sdelay $0x1  }
0xf8: {  	v14 =	vmax.f32 v14, $1.000000010e-10  }
0xf9: {  	(erf) = vrcp.f32 v14;
	_ =	sdelay $0x3  }
0xfa: {  	v61 =	vsel vm0, s21, v47  }
0xfb: {  	v14 =	vsel vm1, s20, v61;
	_ =	sdelay $0x3  }
0xfc: {  	v63 =	vpop (erf)  }
0xfd: {  	v3 =	vld.idx.msk [tilespmem:v14+s28+$0x0], $0xffff;
	v13 =	vmul.f32 v63, v13;
	_ =	sdelay $0x1  }
0xfe: {  	vm7 =	vlt.f32 v13, $4.000000060e-01  }
0xff: {  	v20 =	vimm.s32 $0x0;
	v21 =	vld [tilespmem:$0x1FFF0];
	vm8 =	vmneg vm7  }
0x100: {  	vm9 =	vge.f32 v13, $5.000000000e-01;
	v17 =	vsel vm8, $0xFFFFFFFF, v20  }
0x101: {  	v13 =	vsel vm9, v3, v17  }
0x102: {  	v18 =	vmov s2;
	[tilespmem:s2+$0xD00] =	vst v13  }
0x103: {  	v13 =	vshll.u32 v18, $0x7;
	v19 =	vld.idx.msk [tilespmem:v14+s23+$0x0], $0xffff  }
0x104: {  	v13 =	vor.u32 v21, v13;
	_ =	sdelay $0x1  }
0x105: {  	v0 =	vsub.f32 v6, v0  }
0x106: {  	v24 =	vmax.f32 v10, $0.0e+00;
	v32 =	vld [tilespmem:$0x1FEB0]  }
0x107: {  	v0 =	vmul.f32 v0, v24;
	v25 =	vnsel vm9, $0xBF800000, v19  }
0x108: {  	v27 =	vsub.f32 v60, v62;
	[tilespmem:v13+s31+$0x0] =	vst.idx.msk $0xffff, v25  }
0x109: {  	v29 =	vmul.f32 v50, v53;
	v28 =	vmul.f32 v0, v52;
	v30 =	vld.idx.msk [tilespmem:v14+s24+$0x0], $0xffff  }
0x10a: {  	v10 =	vmax.f32 v27, $0.0e+00;
	v31 =	vor.u32 $0x1, v13  }
0x10b: {  	v10 =	vmul.f32 v49, v10;
	vm10 =	vgt.f32 v28, v29;
	v18 =	vadd.f32 v41, v32  }
0x10c: {  	v0 =	vsel vm10, v0, v53;
	v6 =	vsel vm10, v50, v52  }
0x10d: {  	v33 =	vmul.f32 v10, v6;
	v19 =	vmul.f32 v18, v0  }
0x10e: {  	v16 =	vnsel vm9, $0xBF800000, v30  }
0x10f: {  	vm2 =	vgt.f32 v33, v19;
	[tilespmem:v31+s31+$0x0] =	vst.idx.msk $0xffff, v16  }
0x110: {  	v0 =	vsel vm2, v10, v0;
	v6 =	vsel vm2, v18, v6;
	v34 =	vld.idx.msk [tilespmem:v14+s25+$0x0], $0xffff  }
0x111: {  	v35 =	vor.u32 $0x2, v13;
	v6 =	vsub.f32 v6, v0;
	_ =	sdelay $0x1  }
0x112: {  	v6 =	vmax.f32 v6, $1.000000010e-10  }
0x113: {  	(erf) = vrcp.f32 v6  }
0x114: {  	v36 =	vnsel vm9, $0xBF800000, v34  }
0x115: {  	[tilespmem:v35+s31+$0x0] =	vst.idx.msk $0xffff, v36  }
0x116: {  	v6 =	vld.idx.msk [tilespmem:v14+s26+$0x0], $0xffff  }
0x117: {  	v47 =	vsel vm10, s21, v51;
	v13 =	vor.u32 $0x3, v13  }
0x118: {  	v10 =	vsel vm2, s20, v47;
	_ =	sdelay $0x2  }
0x119: {  	v6 =	vnsel vm9, $0xBF800000, v6  }
0x11a: {  	v49 =	vpop (erf);
	[tilespmem:v13+s31+$0x0] =	vst.idx.msk $0xffff, v6  }
0x11b: {  	v0 =	vmul.f32 v49, v0;
	v50 =	vld.idx.msk [tilespmem:v10+s28+$0x0], $0xffff;
	_ =	sdelay $0x1  }
0x11c: {  	vm11 =	vlt.f32 v0, $4.000000060e-01  }
0x11d: {  	vm12 =	vmneg vm11  }
0x11e: {  	vm13 =	vge.f32 v0, $5.000000000e-01;
	v51 =	vsel vm12, $0xFFFFFFFF, v20  }
0x11f: {  	v0 =	vsel vm13, v50, v51  }
0x120: {  	v54 =	vld [tilespmem:$0x1FE50];
	v52 =	vmov s8;
	[tilespmem:s8+$0xD00] =	vst v0  }
0x121: {  	v0 =	vshll.u32 v52, $0x7;
	v53 =	vld.idx.msk [tilespmem:v10+s23+$0x0], $0xffff  }
0x122: {  	v0 =	vor.u32 v21, v0;
	_ =	sdelay $0x2  }
0x123: {  	v1 =	vmax.f32 v1, $0.0e+00  }
0x124: {  	v1 =	vmul.f32 v58, v1;
	v55 =	vadd.f32 v48, v54;
	v6 =	vnsel vm13, $0xBF800000, v53  }
0x125: {  	[tilespmem:v0+s31+$0x0] =	vst.idx.msk $0xffff, v6  }
0x126: {  	v59 =	vmul.f32 v1, v40;
	v58 =	vmul.f32 v55, v44;
	v15 =	vld.idx.msk [tilespmem:v10+s24+$0x0], $0xffff  }
0x127: {  	v60 =	vmax.f32 v45, $0.0e+00;
	v61 =	vor.u32 $0x1, v0  }
0x128: {  	v62 =	vmul.f32 v39, v60;
	vm14 =	vgt.f32 v59, v58;
	v18 =	vadd.f32 v41, v54  }
0x129: {  	v1 =	vsel vm14, v1, v44;
	v13 =	vsel vm14, v55, v40  }
0x12a: {  	v3 =	vmul.f32 v18, v1;
	v63 =	vmul.f32 v62, v13  }
0x12b: {  	v15 =	vnsel vm13, $0xBF800000, v15  }
0x12c: {  	vm15 =	vgt.f32 v63, v3;
	[tilespmem:v61+s31+$0x0] =	vst.idx.msk $0xffff, v15  }
0x12d: {  	v1 =	vsel vm15, v62, v1;
	v18 =	vsel vm15, v18, v13;
	v19 =	vld.idx.msk [tilespmem:v10+s25+$0x0], $0xffff  }
0x12e: {  	v22 =	vor.u32 $0x2, v0;
	v6 =	vsub.f32 v18, v1;
	_ =	sdelay $0x1  }
0x12f: {  	v6 =	vmax.f32 v6, $1.000000010e-10  }
0x130: {  	(erf) = vrcp.f32 v6  }
0x131: {  	v23 =	vnsel vm13, $0xBF800000, v19  }
0x132: {  	[tilespmem:v22+s31+$0x0] =	vst.idx.msk $0xffff, v23  }
0x133: {  	v6 =	vld.idx.msk [tilespmem:v10+s26+$0x0], $0xffff  }
0x134: {  	v24 =	vsel vm14, s21, v43;
	v0 =	vor.u32 $0x3, v0  }
0x135: {  	v10 =	vsel vm15, s20, v24;
	_ =	sdelay $0x2  }
0x136: {  	v6 =	vnsel vm13, $0xBF800000, v6  }
0x137: {  	v25 =	vpop (erf);
	[tilespmem:v0+s31+$0x0] =	vst.idx.msk $0xffff, v6  }
0x138: {  	v0 =	vmul.f32 v25, v1;
	v27 =	vld.idx.msk [tilespmem:v10+s28+$0x0], $0xffff;
	_ =	sdelay $0x1  }
0x139: {  	vm4 =	vlt.f32 v0, $4.000000060e-01  }
0x13a: {  	vm5 =	vmneg vm4  }
0x13b: {  	vm6 =	vge.f32 v0, $5.000000000e-01;
	v28 =	vsel vm5, $0xFFFFFFFF, v20  }
0x13c: {  	v0 =	vsel vm6, v27, v28  }
0x13d: {  	v29 =	vmov s6;
	[tilespmem:s6+$0xD00] =	vst v0  }
0x13e: {  	v0 =	vshll.u32 v29, $0x7;
	v30 =	vld.idx.msk [tilespmem:v10+s23+$0x0], $0xffff  }
0x13f: {  	v0 =	vor.u32 v21, v0;
	_ =	sdelay $0x3  }
0x140: {  	v1 =	vnsel vm6, $0xBF800000, v30  }
0x141: {  	[tilespmem:v0+s31+$0x0] =	vst.idx.msk $0xffff, v1  }
0x142: {  	v32 =	vmul.f32 v57, v2;
	v31 =	vmul.f32 v56, v5;
	v33 =	vld.idx.msk [tilespmem:v10+s24+$0x0], $0xffff  }
0x143: {  	v34 =	vor.u32 $0x1, v0  }
0x144: {  	vm7 =	vgt.f32 v31, v32  }
0x145: {  	v35 =	vsel vm7, v57, v5;
	v1 =	vsel vm7, v56, v2  }
0x146: {  	v39 =	vmul.f32 v42, v35;
	v36 =	vmul.f32 v38, v1  }
0x147: {  	v13 =	vnsel vm6, $0xBF800000, v33  }
0x148: {  	vm8 =	vgt.f32 v39, v36;
	[tilespmem:v34+s31+$0x0] =	vst.idx.msk $0xffff, v13  }
0x149: {  	v1 =	vsel vm8, v42, v1;
	v2 =	vsel vm8, v38, v35;
	v40 =	vld.idx.msk [tilespmem:v10+s25+$0x0], $0xffff  }
0x14a: {  	v41 =	vor.u32 $0x2, v0;
	v2 =	vsub.f32 v2, v1;
	_ =	sdelay $0x1  }
0x14b: {  	v2 =	vmax.f32 v2, $1.000000010e-10  }
0x14c: {  	(erf) = vrcp.f32 v2  }
0x14d: {  	v42 =	vnsel vm6, $0xBF800000, v40  }
0x14e: {  	[tilespmem:v41+s31+$0x0] =	vst.idx.msk $0xffff, v42  }
0x14f: {  	v2 =	vld.idx.msk [tilespmem:v10+s26+$0x0], $0xffff  }
0x150: {  	v43 =	vsel vm7, s21, v11;
	v0 =	vor.u32 $0x3, v0  }
0x151: {  	v5 =	vsel vm8, s20, v43;
	_ =	sdelay $0x2  }
0x152: {  	v2 =	vnsel vm6, $0xBF800000, v2  }
0x153: {  	v44 =	vpop (erf);
	[tilespmem:v0+s31+$0x0] =	vst.idx.msk $0xffff, v2  }
0x154: {  	v0 =	vmul.f32 v44, v1;
	v45 =	vld.idx.msk [tilespmem:v5+s28+$0x0], $0xffff;
	_ =	sdelay $0x1  }
0x155: {  	vm9 =	vlt.f32 v0, $4.000000060e-01  }
0x156: {  	vm10 =	vmneg vm9  }
0x157: {  	vm11 =	vge.f32 v0, $5.000000000e-01;
	v47 =	vsel vm10, $0xFFFFFFFF, v20  }
0x158: {  	v0 =	vsel vm11, v45, v47  }
0x159: {  	v48 =	vmov s1;
	[tilespmem:s1+$0xD00] =	vst v0  }
0x15a: {  	v0 =	vshll.u32 v48, $0x7;
	v49 =	vld.idx.msk [tilespmem:v5+s23+$0x0], $0xffff  }
0x15b: {  	v0 =	vor.u32 v21, v0;
	_ =	sdelay $0x2  }
0x15c: {  	v50 =	vmax.f32 v46, $0.0e+00  }
0x15d: {  	v2 =	vmul.f32 v37, v50;
	v1 =	vnsel vm11, $0xBF800000, v49  }
0x15e: {  	v53 =	vld [tilespmem:$0x1FE60];
	[tilespmem:v0+s31+$0x0] =	vst.idx.msk $0xffff, v1  }
0x15f: {  	v51 =	vmul.f32 v2, v12;
	v6 =	vld.idx.msk [tilespmem:v5+s24+$0x0], $0xffff  }
0x160: {  	v52 =	vor.u32 $0x1, v0  }
0x161: {  	vm12 =	vgt.f32 v51, v26  }
0x162: {  	v2 =	vsel vm12, v2, v9;
	v1 =	vsel vm12, v7, v12  }
0x163: {  	v9 =	vmul.f32 v53, v2;
	v7 =	vmul.f32 v4, v1  }
0x164: {  	v6 =	vnsel vm11, $0xBF800000, v6  }
0x165: {  	vm13 =	vgt.f32 v7, v9;
	[tilespmem:v52+s31+$0x0] =	vst.idx.msk $0xffff, v6  }
0x166: {  	v2 =	vsel vm13, v4, v2;
	v1 =	vsel vm13, v53, v1;
	v54 =	vld.idx.msk [tilespmem:v5+s25+$0x0], $0xffff  }
0x167: {  	v55 =	vor.u32 $0x2, v0;
	v1 =	vsub.f32 v1, v2;
	_ =	sdelay $0x1  }
0x168: {  	v1 =	vmax.f32 v1, $1.000000010e-10  }
0x169: {  	(erf) = vrcp.f32 v1  }
0x16a: {  	v56 =	vnsel vm11, $0xBF800000, v54  }
0x16b: {  	[tilespmem:v55+s31+$0x0] =	vst.idx.msk $0xffff, v56  }
0x16c: {  	v1 =	vld.idx.msk [tilespmem:v5+s26+$0x0], $0xffff  }
0x16d: {  	v57 =	vsel vm12, s21, v8;
	v0 =	vor.u32 $0x3, v0  }
0x16e: {  	v3 =	vsel vm13, s20, v57;
	_ =	sdelay $0x2  }
0x16f: {  	v1 =	vnsel vm11, $0xBF800000, v1  }
0x170: {  	v58 =	vpop (erf);
	[tilespmem:v0+s31+$0x0] =	vst.idx.msk $0xffff, v1  }
0x171: {  	v0 =	vmul.f32 v58, v2;
	v1 =	vld.idx.msk [tilespmem:v3+s28+$0x0], $0xffff;
	_ =	sdelay $0x1  }
0x172: {  	vm14 =	vlt.f32 v0, $4.000000060e-01  }
0x173: {  	vm0 =	vmneg vm14  }
0x174: {  	vm15 =	vge.f32 v0, $5.000000000e-01;
	v59 =	vsel vm0, $0xFFFFFFFF, v20  }
0x175: {  	v0 =	vsel vm15, v1, v59  }
0x176: {  	v60 =	vmov s22;
	[tilespmem:s22+$0xD00] =	vst v0  }
0x177: {  	v0 =	vshll.u32 v60, $0x7;
	v61 =	vld.idx.msk [tilespmem:v3+s23+$0x0], $0xffff  }
0x178: {  	v0 =	vor.u32 v21, v0;
	_ =	sdelay $0x3  }
0x179: {  	v1 =	vnsel vm15, $0xBF800000, v61  }
0x17a: {  	[tilespmem:v0+s31+$0x0] =	vst.idx.msk $0xffff, v1  }
0x17b: {  	v1 =	vld.idx.msk [tilespmem:v3+s24+$0x0], $0xffff  }
0x17c: {  	v62 =	vor.u32 $0x1, v0;
	_ =	sdelay $0x3  }
0x17d: {  	v1 =	vnsel vm15, $0xBF800000, v1  }
0x17e: {  	[tilespmem:v62+s31+$0x0] =	vst.idx.msk $0xffff, v1  }
0x17f: {  	v1 =	vld.idx.msk [tilespmem:v3+s25+$0x0], $0xffff  }
0x180: {  	v63 =	vor.u32 $0x2, v0;
	_ =	sdelay $0x3  }
0x181: {  	v1 =	vnsel vm15, $0xBF800000, v1  }
0x182: {  	[tilespmem:v63+s31+$0x0] =	vst.idx.msk $0xffff, v1  }
0x183: {  	v1 =	vld.idx.msk [tilespmem:v3+s26+$0x0], $0xffff  }
0x184: {  	v0 =	vor.u32 $0x3, v0  }
0x185: {  	p2 =	sgt.u32 @!p1 s4, $0x1  }
0x186: {  	p2 =	por p1, !p2  }
0x187: {  	s1 =	sadd.s32 @p2 s7, s2  }
0x188: {  	s6 =	sshrl.u32 @p2 s1, $0x3;
	v1 =	vnsel vm15, $0xBF800000, v1  }
0x189: {  	s8 =	smul.u32 @p2 $0xA000, s4;
	s2 =	sadd.s32 @p2 $0xD00, s2;
	s6 =	sadd.s32 @p2 s3, s6;
	[tilespmem:v0+s31+$0x0] =	vst.idx.msk $0xffff, v1  }
0x18a: {  	[hbm4b:s6+s5] =	stream.linear.scatter @p2 [tilespmem:s2], [sflag:$0x1], $0x50, $0x38;
	[tilespmem:$0x14F80] =	vst v63  }
0x18b: {  	s1 =	sshll.u32 @p2 s1, $0x4;
	s2 =	sshra.s32 @p2 s8, $0x2  }
0x18c: {  	s4 =	sadd.s32 $0x1, s4;
	s1 =	sadd.s32 @p2 s10, s1;
	s2 =	sadd.s32 @p2 $0xF80, s2  }
0x18d: {  	[hbm4b:s1+s5] =	stream.linear.scatter @p2 [tilespmem:s2], [sflag:$0x1], $0x2800, $0x38;
	[tilespmem:$0x14F80] =	vst v63  }
0x18e: {  	p2 =	sne.s32 s4, $0x8  }
.Ltmp1:
0x18f: {  	_ = 	snop;
	(pc) =	sbr.rel @p2 .LBB2_2-.Ltmp1, $1  }
0x190: {  	_ =	sdelay $0x3  }
0x191: {  	_ =	swait.ge [sflag:s29], $0x50  }
0x192: {  	[sflag:s29] =	ssyncset.done $0x0  }
0x193: {  	[sflag:s29] =	ssyncadd.s32 $0xFFFFFFB0  }
0x194: {  	_ =	swait.ge [sflag:s29], $0x2800  }
0x195: {  	[sflag:s29] =	ssyncset.done $0x0  }
0x196: {  	[sflag:s29] =	ssyncadd.s32 $0xFFFFD800  }
0x197: {  	_ =	swait.ge [sflag:s29], $0x50  }
0x198: {  	[sflag:s29] =	ssyncset.done $0x0  }
0x199: {  	[sflag:s29] =	ssyncadd.s32 $0xFFFFFFB0  }
0x19a: {  	_ =	swait.ge [sflag:s29], $0x2800  }
0x19b: {  	[sflag:s29] =	ssyncset.done $0x0  }
0x19c: {  	s1 =	simm.s32 @!p0 $0x1;
	[sflag:s29] =	ssyncadd.s32 $0xFFFFD800  }
0x19d: {  	_ =	swait.ge @!p0 [sflag:s1], $0x50  }
0x19e: {  	[sflag:s1] =	ssyncset.done @!p0 $0x0  }
0x19f: {  	[sflag:s1] =	ssyncadd.s32 @!p0 $0xFFFFFFB0  }
0x1a0: {  	_ =	swait.ge @!p0 [sflag:s1], $0x2800  }
0x1a1: {  	[sflag:s1] =	ssyncset.done @!p0 $0x0  }
0x1a2: {  	[sflag:s1] =	ssyncadd.s32 @!p0 $0xFFFFD800  }
0x1a3: {  	_ =	swait.ge @!p0 [sflag:s1], $0x50  }
0x1a4: {  	[sflag:s1] =	ssyncset.done @!p0 $0x0  }
0x1a5: {  	[sflag:s1] =	ssyncadd.s32 @!p0 $0xFFFFFFB0  }
0x1a6: {  	_ =	swait.ge @!p0 [sflag:s1], $0x2800  }
0x1a7: {  	[sflag:s1] =	ssyncset.done @!p0 $0x0  }
0x1a8: {  	[sflag:s1] =	ssyncadd.s32 @!p0 $0xFFFFD800  }
0x1a9: {  	_ =	swait.ge @!p0 [sflag:s1], $0x50  }
0x1aa: {  	[sflag:s1] =	ssyncset.done @!p0 $0x0  }
0x1ab: {  	[sflag:s1] =	ssyncadd.s32 @!p0 $0xFFFFFFB0  }
0x1ac: {  	_ =	swait.ge @!p0 [sflag:s1], $0x2800  }
0x1ad: {  	[sflag:s1] =	ssyncset.done @!p0 $0x0  }
0x1ae: {  	[sflag:s1] =	ssyncadd.s32 @!p0 $0xFFFFD800  }
0x1af: {  	_ =	swait.ge @!p0 [sflag:s1], $0x50  }
0x1b0: {  	[sflag:s1] =	ssyncset.done @!p0 $0x0  }
0x1b1: {  	[sflag:s1] =	ssyncadd.s32 @!p0 $0xFFFFFFB0  }
0x1b2: {  	_ =	swait.ge @!p0 [sflag:s1], $0x2800  }
0x1b3: {  	[sflag:s1] =	ssyncset.done @!p0 $0x0  }
0x1b4: {  	[sflag:s1] =	ssyncadd.s32 @!p0 $0xFFFFD800  }
0x1b5: {  	_ =	swait.ge @!p0 [sflag:s1], $0x50  }
0x1b6: {  	[sflag:s1] =	ssyncset.done @!p0 $0x0  }
0x1b7: {  	[sflag:s1] =	ssyncadd.s32 @!p0 $0xFFFFFFB0  }
0x1b8: {  	_ =	swait.ge @!p0 [sflag:s1], $0x2800  }
0x1b9: {  	[sflag:s1] =	ssyncset.done @!p0 $0x0  }
0x1ba: {  	s0 =	sadd.s32 $0x1, s0;
	[sflag:s1] =	ssyncadd.s32 @!p0 $0xFFFFD800  }
0x1bb: {  	p2 =	sne.s32 s0, s19;
	_ =	swait.ge @!p0 [sflag:s1], $0x50  }
.Ltmp2:
0x1bc: {  	[sflag:s1] =	ssyncset.done @!p0 $0x0;
	(pc) =	sbr.rel @p2 .LBB2_1-.Ltmp2, $4  }
0x1bd: {  	[sflag:s1] =	ssyncadd.s32 @!p0 $0xFFFFFFB0  }
0x1be: {  	_ =	swait.ge @!p0 [sflag:s1], $0x2800  }
0x1bf: {  	[sflag:s1] =	ssyncset.done @!p0 $0x0  }
0x1c0: {  	[sflag:s1] =	ssyncadd.s32 @!p0 $0xFFFFD800  }
0x1c1: {  	_ =	sfence.sel $0x180000  }
0x1c2: {  	[bflag:$0x0] =	sbarrier.arrive $0xFFFF  }
0x1c3: {  	_ =	strace $0x90000047  }
0x1c4: {  	s0 =	stileid.u32;
	[bflag:$0x2] =	sbarrier.arrive $0xFFFF  }
0x1c5: {  	p0 =	sne.s32 s0, $0x0;
	s0 =	rddreg [dreg:$0x4]  }
0x1c6: {  	s0 =	sadd.s32 @!p0 $0x100000, s0  }
0x1c7: {  	[sflag:s0] =	ssyncadd.tile.s32 @!p0 $0x1;
	_ =	shalt  }
.Lfunc_end2:
_tile_overlayer_lowered:
.L_overlay_start_2:
0x1c8: {  	(tag) =	ssettag $0x2  }
0x1c9: {  	s0 =	rddreg [dreg:$0x0];
	s2 =	stileid.u32  }
0x1ca: {  	s1 =	rddreg [dreg:$0x1];
	p0 =	sne.s32 s2, $0x0  }
0x1cb: {  	s3 =	rddreg [dreg:$0x2];
	[bflag:$0x3] =	sbarrier.arrive $0xFFFF;
	s2 =	simm.s32 @!p0 $0x1C02  }
0x1cc: {  	[timem:s3], [sflag:s2] =	dma.local @!p0 [hbm:s0], s1  }
0x1cd: {  	s0 =	simm.s32 @!p0 $0x2  }
0x1ce: {  	_ =	swait.ge @!p0 [sflag:s0], s1  }
0x1cf: {  	s1 =	ssub.s32 @!p0 $0x0, s1;
	[sflag:s0] =	ssyncset.done @!p0 $0x0  }
0x1d0: {  	[sflag:s0] =	ssyncadd.s32 @!p0 s1  }
0x1d1: {  	[bflag:$0x3] =	sbarrier.arrive $0xFFFF  }
0x1d2: {  	_ =	shalt  }

</sc_bundles>
